<compile_context>
chip_gen: v7x
topology: tpu7x:2x2x1
jax: 0.10.2.dev20260603
libtpu: 0.0.44.dev20260713+nightly
codegen_flags: <defaults>
</compile_context>

<pallas_src>
import functools

import jax
import jax.numpy as jnp
from jax import lax
from jax.experimental import pallas as pl
from jax.experimental.pallas import tpu as pltpu
from jax.experimental.pallas import tpu_sc as plsc

W = 5
D = 64
B = 1024
L = 200
N = B * L


def _sc_gather(idx_flat, table_pad):
    info = plsc.get_sparse_core_info()
    nw = info.num_cores * info.num_subcores
    per_w = N // nw
    chunk = 800
    n_chunks = per_w // chunk

    mesh = plsc.VectorSubcoreMesh(core_axis_name="c", subcore_axis_name="s")

    @functools.partial(
        pl.kernel,
        out_type=jax.ShapeDtypeStruct((N, 2 * D), jnp.float32),
        mesh=mesh,
        scratch_types=[
            pltpu.VMEM((chunk,), jnp.int32),
            pltpu.VMEM((chunk, 2 * D), jnp.float32),
            pltpu.SemaphoreType.DMA,
        ],
    )
    def gather_kernel(table_hbm, idx_hbm, out_hbm, idx_v, rows_v, sem):
        wid = lax.axis_index("s") * info.num_cores + lax.axis_index("c")

        def body(i, carry):
            base = wid * per_w + i * chunk
            pltpu.sync_copy(idx_hbm.at[pl.ds(base, chunk)], idx_v)
            pltpu.async_copy(table_hbm.at[idx_v], rows_v, sem).wait()
            pltpu.sync_copy(rows_v, out_hbm.at[pl.ds(base, chunk)])
            return carry

        lax.fori_loop(0, n_chunks, body, 0)

    return gather_kernel(table_pad, idx_flat)


def _transpose_body(embj_ref, embt_ref):
    t = pl.program_id(0)

    @pl.when(t <= L - 1)
    def _():
        x = embj_ref[0, :, :D]
        embt_ref[...] = jnp.transpose(x, (1, 0))

    @pl.when(t > L - 1)
    def _():
        embt_ref[...] = jnp.zeros((D, B), jnp.float32)


def _tc_transpose(embj3):
    return pl.pallas_call(
        _transpose_body,
        grid=(L + W - 1,),
        in_specs=[
            pl.BlockSpec((1, B, 2 * D), lambda t: (jnp.maximum(L - 1 - t, 0), 0, 0))
        ],
        out_specs=pl.BlockSpec((D, B), lambda t: (t, 0)),
        out_shape=jax.ShapeDtypeStruct(((L + W - 1) * D, B), jnp.float32),
    )(embj3)


def _sc_window(embt2):
    info = plsc.get_sparse_core_info()
    nw = info.num_cores * info.num_subcores
    n_slabs = L + W - 1
    per_w = -(-n_slabs // nw)

    mesh = plsc.VectorSubcoreMesh(core_axis_name="c", subcore_axis_name="s")

    @functools.partial(
        pl.kernel,
        out_type=jax.ShapeDtypeStruct((L, W * D, B), jnp.float32),
        mesh=mesh,
        scratch_types=[pltpu.VMEM((D, B), jnp.float32)],
    )
    def window_kernel(embt_hbm, out_hbm, slab_v):
        wid = lax.axis_index("s") * info.num_cores + lax.axis_index("c")

        def body(i, carry):
            t = wid + nw * i

            @pl.when(t < n_slabs)
            def _():
                pltpu.sync_copy(embt_hbm.at[pl.ds(t * D, D)], slab_v)
                for k in range(W):
                    j = L - 1 - t + k

                    @pl.when((k <= t) & (t - (L - 1) <= k))
                    def _():
                        pltpu.sync_copy(
                            slab_v, out_hbm.at[j, pl.ds(k * D, D)]
                        )

            return carry

        lax.fori_loop(0, per_w, body, 0)

    return window_kernel(embt2)


def kernel(inputs, table):
    table_pad = jnp.pad(table, ((0, 0), (0, 2 * D - D)))
    idxt_flat = inputs.T.reshape(-1).astype(jnp.int32)
    embj = _sc_gather(idxt_flat, table_pad)
    embj3 = embj.reshape(L, B, 2 * D)
    embt2 = _tc_transpose(embj3)
    p = _sc_window(embt2)
    return p.transpose(2, 0, 1)

# --- scband reference (transcript-rebuilt; emitter-appended) ---
"""Pipeline reference for scband-window-embeddingforword-7086696038875 (READ-ONLY COPY).

The authoritative reference and input builder live on the scoring server;
editing this copy changes nothing except your own understanding.
"""

import jax, jax.numpy as jnp
import numpy as np

WINDOW_SIZE = 5
VOCAB = 1000000
EMBED_DIM = 64
BATCH = 1024
SEQ = 200

def setup_inputs(seed: int = 0) -> dict:
    key = jax.random.key(seed)
    k1, k2 = jax.random.split(key)
    inputs = jax.random.randint(k1, (BATCH, SEQ), 0, VOCAB, dtype=jnp.int64 if jax.config.jax_enable_x64 else jnp.int32)
    table = jax.random.normal(k2, (VOCAB, EMBED_DIM), dtype=jnp.float32) * 0.02
    return {"inputs": inputs, "table": table}

def reference(inputs, table):
    w = WINDOW_SIZE
    emb = jnp.take(table, inputs, axis=0)  # [B, L, d]
    B, L, d = emb.shape
    zero = jnp.zeros((B, w - 1, d), dtype=emb.dtype)
    padded = jnp.concatenate([zero, emb], axis=1)  # [B, L+w-1, d]
    new_embeddings = padded
    for i in range(w - 2, -1, -1):
        shift = w - (i + 1)
        z = jnp.zeros((B, shift, d), dtype=emb.dtype)
        temp = padded[:, :-shift, :]
        part = jnp.concatenate([z, temp], axis=1)
        new_embeddings = jnp.concatenate([new_embeddings, part], axis=2)
    return new_embeddings[:, w - 1:, :]  # [B, L, w*d]

if __name__ == "__main__":
    import jax
    _d = setup_inputs()
    print(jax.jit(kernel)(*tuple(_d.values())))

</pallas_src>

<mosaic_0001>
#map = affine_map<(d0, d1) -> (0, 0)>
#map1 = affine_map<(d0, d1) -> (0)>
module attributes {stable_mosaic.version = 14 : i64} {
  func.func @gather_kernel(%arg0: i32, %arg1: i32, %arg2: memref<1000000x128xf32, #tpu.memory_space<hbm>>, %arg3: memref<204800xi32, #tpu.memory_space<hbm>>, %arg4: memref<204800x128xf32, #tpu.memory_space<hbm>>, %arg5: memref<800xi32, #tpu.memory_space<vmem>>, %arg6: memref<800x128xf32, #tpu.memory_space<vmem>>, %arg7: memref<!tpu.dma_semaphore, #tpu.memory_space<semaphore_mem>>) attributes {dimension_semantics = [#tpu.dimension_semantics<core_parallel>, #tpu.dimension_semantics<subcore_parallel>], iteration_bounds = array<i64: 2, 16>, scalar_prefetch = 0 : i64, scratch_operands = 3 : i64, tpu.core_type = #tpu.core_type<sc_vector_subcore>, window_params = [{transform_indices = #map}, {transform_indices = #map1}, {transform_indices = #map}]} {
    %mul3A = arith.constant 2 : i32
    %mul3A_0 = arith.muli %arg1, %mul3A : i32
    %add3A = arith.addi %mul3A_0, %arg0 : i32
    %scan3A = arith.constant 0 : i32
    %scan3A_1 = arith.constant 0 : i32
    %scan3A_2 = arith.constant 8 : i32
    %scan3A_3 = arith.addi %scan3A_1, %scan3A_2 : i32
    %scan3A_4 = arith.constant 1 : i32
    scf.for %scan3A_6 = %scan3A_1 to %scan3A_3 step %scan3A_4  : i32 {
      %mul3A_7 = arith.constant 6400 : i32
      %mul3A_8 = arith.muli %add3A, %mul3A_7 : i32
      %mul3A_9 = arith.constant 800 : i32
      %mul3A_10 = arith.muli %scan3A_6, %mul3A_9 : i32
      %add3A_11 = arith.addi %mul3A_8, %mul3A_10 : i32
      "tpu.region"() ({
        %run_scoped3A = tpu.sem_alloc : memref<!tpu.dma_semaphore, #tpu.memory_space<semaphore_mem>>
        %dma_start3A_16 = tpu.memref_slice %arg3[%add3A_11] : memref<204800xi32, #tpu.memory_space<hbm>> -> memref<800xi32, #tpu.memory_space<hbm>>
        %dma_start3A_17 = tpu.memref_slice %arg3[%add3A_11] : memref<204800xi32, #tpu.memory_space<hbm>> -> memref<800xi32, #tpu.memory_space<hbm>>
        tpu.enqueue_dma source(%dma_start3A_17 : memref<800xi32, #tpu.memory_space<hbm>>) target(%arg5 : memref<800xi32, #tpu.memory_space<vmem>>) target_semaphore(%run_scoped3A : memref<!tpu.dma_semaphore, #tpu.memory_space<semaphore_mem>>)
        %dma_wait3A_18 = tpu.memref_slice %arg3[%add3A_11] : memref<204800xi32, #tpu.memory_space<hbm>> -> memref<800xi32, #tpu.memory_space<hbm>>
        %dma_wait3A_19 = tpu.memref_slice %arg3[%add3A_11] : memref<204800xi32, #tpu.memory_space<hbm>> -> memref<800xi32, #tpu.memory_space<hbm>>
        tpu.wait_dma2 semaphore(%run_scoped3A : memref<!tpu.dma_semaphore, #tpu.memory_space<semaphore_mem>>) src(%dma_wait3A_19 : memref<800xi32, #tpu.memory_space<hbm>>) dst(%arg5 : memref<800xi32, #tpu.memory_space<vmem>>)
        tpu.yield
      }) : () -> ()
      %dma_start3A = arith.constant 0 : i32
      %dma_start3A_12 = arith.constant 0 : i32
      %dma_start3A_13 = tpu.memref_slice %arg2[%dma_start3A, %dma_start3A_12] : memref<1000000x128xf32, #tpu.memory_space<hbm>> -> memref<1000000x128xf32, #tpu.memory_space<hbm>>
      tpu.enqueue_indirect_dma source(%dma_start3A_13 : memref<1000000x128xf32, #tpu.memory_space<hbm>>) target(%arg6 : memref<800x128xf32, #tpu.memory_space<vmem>>) offsets(%arg5 : memref<800xi32, #tpu.memory_space<vmem>>) semaphore(%arg7 : memref<!tpu.dma_semaphore, #tpu.memory_space<semaphore_mem>>)
      %dma_wait3A = arith.constant 0 : i32
      %dma_wait3A_14 = arith.constant 0 : i32
      %dma_wait3A_15 = tpu.memref_slice %arg2[%dma_wait3A, %dma_wait3A_14] : memref<1000000x128xf32, #tpu.memory_space<hbm>> -> memref<1000000x128xf32, #tpu.memory_space<hbm>>
      tpu.wait_indirect_dma semaphore(%arg7 : memref<!tpu.dma_semaphore, #tpu.memory_space<semaphore_mem>>) src(%dma_wait3A_15 : memref<1000000x128xf32, #tpu.memory_space<hbm>>) dst(%arg6 : memref<800x128xf32, #tpu.memory_space<vmem>>)
      "tpu.region"() ({
        %run_scoped3A = tpu.sem_alloc : memref<!tpu.dma_semaphore, #tpu.memory_space<semaphore_mem>>
        %dma_start3A_16 = arith.constant 0 : i32
        %dma_start3A_17 = tpu.memref_slice %arg4[%add3A_11, %dma_start3A_16] : memref<204800x128xf32, #tpu.memory_space<hbm>> -> memref<800x128xf32, #tpu.memory_space<hbm>>
        %dma_start3A_18 = arith.constant 0 : i32
        %dma_start3A_19 = tpu.memref_slice %arg4[%add3A_11, %dma_start3A_18] : memref<204800x128xf32, #tpu.memory_space<hbm>> -> memref<800x128xf32, #tpu.memory_space<hbm>>
        tpu.enqueue_dma source(%arg6 : memref<800x128xf32, #tpu.memory_space<vmem>>) target(%dma_start3A_19 : memref<800x128xf32, #tpu.memory_space<hbm>>) target_semaphore(%run_scoped3A : memref<!tpu.dma_semaphore, #tpu.memory_space<semaphore_mem>>)
        %dma_wait3A_20 = arith.constant 0 : i32
        %dma_wait3A_21 = tpu.memref_slice %arg4[%add3A_11, %dma_wait3A_20] : memref<204800x128xf32, #tpu.memory_space<hbm>> -> memref<800x128xf32, #tpu.memory_space<hbm>>
        %dma_wait3A_22 = arith.constant 0 : i32
        %dma_wait3A_23 = tpu.memref_slice %arg4[%add3A_11, %dma_wait3A_22] : memref<204800x128xf32, #tpu.memory_space<hbm>> -> memref<800x128xf32, #tpu.memory_space<hbm>>
        tpu.wait_dma2 semaphore(%run_scoped3A : memref<!tpu.dma_semaphore, #tpu.memory_space<semaphore_mem>>) src(%arg6 : memref<800x128xf32, #tpu.memory_space<vmem>>) dst(%dma_wait3A_23 : memref<800x128xf32, #tpu.memory_space<hbm>>)
        tpu.yield
      }) : () -> ()
    }
    %scan3A_5 = arith.constant 8 : i32
    return
  }
}

#map = affine_map<(d0, d1) -> (0, 0)>
#map1 = affine_map<(d0, d1) -> (0, 0, 0)>
module attributes {stable_mosaic.version = 14 : i64} {
  func.func @window_kernel(%arg0: i32, %arg1: i32, %arg2: memref<13056x1024xf32, #tpu.memory_space<hbm>>, %arg3: memref<200x320x1024xf32, #tpu.memory_space<hbm>>, %arg4: memref<64x1024xf32, #tpu.memory_space<vmem>>) attributes {dimension_semantics = [#tpu.dimension_semantics<core_parallel>, #tpu.dimension_semantics<subcore_parallel>], iteration_bounds = array<i64: 2, 16>, scalar_prefetch = 0 : i64, scratch_operands = 1 : i64, tpu.core_type = #tpu.core_type<sc_vector_subcore>, window_params = [{transform_indices = #map}, {transform_indices = #map1}]} {
    %mul3A = arith.constant 2 : i32
    %mul3A_0 = arith.muli %arg1, %mul3A : i32
    %add3A = arith.addi %mul3A_0, %arg0 : i32
    %scan3A = arith.constant 0 : i32
    %scan3A_1 = arith.constant 0 : i32
    %scan3A_2 = arith.constant 7 : i32
    %scan3A_3 = arith.addi %scan3A_1, %scan3A_2 : i32
    %scan3A_4 = arith.constant 1 : i32
    scf.for %scan3A_6 = %scan3A_1 to %scan3A_3 step %scan3A_4  : i32 {
      %mul3A_7 = arith.constant 32 : i32
      %mul3A_8 = arith.muli %mul3A_7, %scan3A_6 : i32
      %add3A_9 = arith.addi %add3A, %mul3A_8 : i32
      %lt3A = arith.constant 204 : i32
      %lt3A_10 = arith.cmpi slt, %add3A_9, %lt3A : i32
      %convert_element_type3A = arith.extui %lt3A_10 : i1 to i32
      %cond3A = arith.constant 0 : i32
      %cond3A_11 = arith.cmpi ne, %convert_element_type3A, %cond3A : i32
      scf.if %cond3A_11 {
        %mul3A_12 = arith.constant 64 : i32
        %mul3A_13 = arith.muli %add3A_9, %mul3A_12 : i32
        "tpu.region"() ({
          %run_scoped3A = tpu.sem_alloc : memref<!tpu.dma_semaphore, #tpu.memory_space<semaphore_mem>>
          %dma_start3A = arith.constant 0 : i32
          %dma_start3A_80 = tpu.memref_slice %arg2[%mul3A_13, %dma_start3A] : memref<13056x1024xf32, #tpu.memory_space<hbm>> -> memref<64x1024xf32, #tpu.memory_space<hbm>>
          %dma_start3A_81 = arith.constant 0 : i32
          %dma_start3A_82 = tpu.memref_slice %arg2[%mul3A_13, %dma_start3A_81] : memref<13056x1024xf32, #tpu.memory_space<hbm>> -> memref<64x1024xf32, #tpu.memory_space<hbm>>
          tpu.enqueue_dma source(%dma_start3A_82 : memref<64x1024xf32, #tpu.memory_space<hbm>>) target(%arg4 : memref<64x1024xf32, #tpu.memory_space<vmem>>) target_semaphore(%run_scoped3A : memref<!tpu.dma_semaphore, #tpu.memory_space<semaphore_mem>>)
          %dma_wait3A = arith.constant 0 : i32
          %dma_wait3A_83 = tpu.memref_slice %arg2[%mul3A_13, %dma_wait3A] : memref<13056x1024xf32, #tpu.memory_space<hbm>> -> memref<64x1024xf32, #tpu.memory_space<hbm>>
          %dma_wait3A_84 = arith.constant 0 : i32
          %dma_wait3A_85 = tpu.memref_slice %arg2[%mul3A_13, %dma_wait3A_84] : memref<13056x1024xf32, #tpu.memory_space<hbm>> -> memref<64x1024xf32, #tpu.memory_space<hbm>>
          tpu.wait_dma2 semaphore(%run_scoped3A : memref<!tpu.dma_semaphore, #tpu.memory_space<semaphore_mem>>) src(%dma_wait3A_85 : memref<64x1024xf32, #tpu.memory_space<hbm>>) dst(%arg4 : memref<64x1024xf32, #tpu.memory_space<vmem>>)
          tpu.yield
        }) : () -> ()
        %sub3A = arith.constant 199 : i32
        %sub3A_14 = arith.subi %sub3A, %add3A_9 : i32
        %add3A_15 = arith.constant 0 : i32
        %add3A_16 = arith.addi %sub3A_14, %add3A_15 : i32
        %ge3A = arith.constant 0 : i32
        %ge3A_17 = arith.cmpi sge, %add3A_9, %ge3A : i32
        %sub3A_18 = arith.constant 199 : i32
        %sub3A_19 = arith.subi %add3A_9, %sub3A_18 : i32
        %le3A = arith.constant 0 : i32
        %le3A_20 = arith.cmpi sle, %sub3A_19, %le3A : i32
        %and3A = arith.andi %ge3A_17, %le3A_20 : i1
        %convert_element_type3A_21 = arith.extui %and3A : i1 to i32
        %cond3A_22 = arith.constant 0 : i32
        %cond3A_23 = arith.cmpi ne, %convert_element_type3A_21, %cond3A_22 : i32
        scf.if %cond3A_23 {
          "tpu.region"() ({
            %run_scoped3A = tpu.sem_alloc : memref<!tpu.dma_semaphore, #tpu.memory_space<semaphore_mem>>
            %dma_start3A = arith.constant 0 : i32
            %dma_start3A_80 = arith.constant 0 : i32
            %dma_start3A_81 = tpu.memref_slice %arg3[%add3A_16, %dma_start3A, %dma_start3A_80] : memref<200x320x1024xf32, #tpu.memory_space<hbm>> -> memref<1x64x1024xf32, #tpu.memory_space<hbm>>
            %dma_start3A_82 = tpu.memref_squeeze %dma_start3A_81 : memref<1x64x1024xf32, #tpu.memory_space<hbm>> -> memref<64x1024xf32, #tpu.memory_space<hbm>>
            %dma_start3A_83 = arith.constant 0 : i32
            %dma_start3A_84 = arith.constant 0 : i32
            %dma_start3A_85 = tpu.memref_slice %arg3[%add3A_16, %dma_start3A_83, %dma_start3A_84] : memref<200x320x1024xf32, #tpu.memory_space<hbm>> -> memref<1x64x1024xf32, #tpu.memory_space<hbm>>
            %dma_start3A_86 = tpu.memref_squeeze %dma_start3A_85 : memref<1x64x1024xf32, #tpu.memory_space<hbm>> -> memref<64x1024xf32, #tpu.memory_space<hbm>>
            tpu.enqueue_dma source(%arg4 : memref<64x1024xf32, #tpu.memory_space<vmem>>) target(%dma_start3A_86 : memref<64x1024xf32, #tpu.memory_space<hbm>>) target_semaphore(%run_scoped3A : memref<!tpu.dma_semaphore, #tpu.memory_space<semaphore_mem>>)
            %dma_wait3A = arith.constant 0 : i32
            %dma_wait3A_87 = arith.constant 0 : i32
            %dma_wait3A_88 = tpu.memref_slice %arg3[%add3A_16, %dma_wait3A, %dma_wait3A_87] : memref<200x320x1024xf32, #tpu.memory_space<hbm>> -> memref<1x64x1024xf32, #tpu.memory_space<hbm>>
            %dma_wait3A_89 = tpu.memref_squeeze %dma_wait3A_88 : memref<1x64x1024xf32, #tpu.memory_space<hbm>> -> memref<64x1024xf32, #tpu.memory_space<hbm>>
            %dma_wait3A_90 = arith.constant 0 : i32
            %dma_wait3A_91 = arith.constant 0 : i32
            %dma_wait3A_92 = tpu.memref_slice %arg3[%add3A_16, %dma_wait3A_90, %dma_wait3A_91] : memref<200x320x1024xf32, #tpu.memory_space<hbm>> -> memref<1x64x1024xf32, #tpu.memory_space<hbm>>
            %dma_wait3A_93 = tpu.memref_squeeze %dma_wait3A_92 : memref<1x64x1024xf32, #tpu.memory_space<hbm>> -> memref<64x1024xf32, #tpu.memory_space<hbm>>
            tpu.wait_dma2 semaphore(%run_scoped3A : memref<!tpu.dma_semaphore, #tpu.memory_space<semaphore_mem>>) src(%arg4 : memref<64x1024xf32, #tpu.memory_space<vmem>>) dst(%dma_wait3A_93 : memref<64x1024xf32, #tpu.memory_space<hbm>>)
            tpu.yield
          }) : () -> ()
        } else {
        }
        %sub3A_24 = arith.constant 199 : i32
        %sub3A_25 = arith.subi %sub3A_24, %add3A_9 : i32
        %add3A_26 = arith.constant 1 : i32
        %add3A_27 = arith.addi %sub3A_25, %add3A_26 : i32
        %ge3A_28 = arith.constant 1 : i32
        %ge3A_29 = arith.cmpi sge, %add3A_9, %ge3A_28 : i32
        %sub3A_30 = arith.constant 199 : i32
        %sub3A_31 = arith.subi %add3A_9, %sub3A_30 : i32
        %le3A_32 = arith.constant 1 : i32
        %le3A_33 = arith.cmpi sle, %sub3A_31, %le3A_32 : i32
        %and3A_34 = arith.andi %ge3A_29, %le3A_33 : i1
        %convert_element_type3A_35 = arith.extui %and3A_34 : i1 to i32
        %cond3A_36 = arith.constant 0 : i32
        %cond3A_37 = arith.cmpi ne, %convert_element_type3A_35, %cond3A_36 : i32
        scf.if %cond3A_37 {
          "tpu.region"() ({
            %run_scoped3A = tpu.sem_alloc : memref<!tpu.dma_semaphore, #tpu.memory_space<semaphore_mem>>
            %dma_start3A = arith.constant 64 : i32
            %dma_start3A_80 = arith.constant 0 : i32
            %dma_start3A_81 = tpu.memref_slice %arg3[%add3A_27, %dma_start3A, %dma_start3A_80] : memref<200x320x1024xf32, #tpu.memory_space<hbm>> -> memref<1x64x1024xf32, #tpu.memory_space<hbm>>
            %dma_start3A_82 = tpu.memref_squeeze %dma_start3A_81 : memref<1x64x1024xf32, #tpu.memory_space<hbm>> -> memref<64x1024xf32, #tpu.memory_space<hbm>>
            %dma_start3A_83 = arith.constant 64 : i32
            %dma_start3A_84 = arith.constant 0 : i32
            %dma_start3A_85 = tpu.memref_slice %arg3[%add3A_27, %dma_start3A_83, %dma_start3A_84] : memref<200x320x1024xf32, #tpu.memory_space<hbm>> -> memref<1x64x1024xf32, #tpu.memory_space<hbm>>
            %dma_start3A_86 = tpu.memref_squeeze %dma_start3A_85 : memref<1x64x1024xf32, #tpu.memory_space<hbm>> -> memref<64x1024xf32, #tpu.memory_space<hbm>>
            tpu.enqueue_dma source(%arg4 : memref<64x1024xf32, #tpu.memory_space<vmem>>) target(%dma_start3A_86 : memref<64x1024xf32, #tpu.memory_space<hbm>>) target_semaphore(%run_scoped3A : memref<!tpu.dma_semaphore, #tpu.memory_space<semaphore_mem>>)
            %dma_wait3A = arith.constant 64 : i32
            %dma_wait3A_87 = arith.constant 0 : i32
            %dma_wait3A_88 = tpu.memref_slice %arg3[%add3A_27, %dma_wait3A, %dma_wait3A_87] : memref<200x320x1024xf32, #tpu.memory_space<hbm>> -> memref<1x64x1024xf32, #tpu.memory_space<hbm>>
            %dma_wait3A_89 = tpu.memref_squeeze %dma_wait3A_88 : memref<1x64x1024xf32, #tpu.memory_space<hbm>> -> memref<64x1024xf32, #tpu.memory_space<hbm>>
            %dma_wait3A_90 = arith.constant 64 : i32
            %dma_wait3A_91 = arith.constant 0 : i32
            %dma_wait3A_92 = tpu.memref_slice %arg3[%add3A_27, %dma_wait3A_90, %dma_wait3A_91] : memref<200x320x1024xf32, #tpu.memory_space<hbm>> -> memref<1x64x1024xf32, #tpu.memory_space<hbm>>
            %dma_wait3A_93 = tpu.memref_squeeze %dma_wait3A_92 : memref<1x64x1024xf32, #tpu.memory_space<hbm>> -> memref<64x1024xf32, #tpu.memory_space<hbm>>
            tpu.wait_dma2 semaphore(%run_scoped3A : memref<!tpu.dma_semaphore, #tpu.memory_space<semaphore_mem>>) src(%arg4 : memref<64x1024xf32, #tpu.memory_space<vmem>>) dst(%dma_wait3A_93 : memref<64x1024xf32, #tpu.memory_space<hbm>>)
            tpu.yield
          }) : () -> ()
        } else {
        }
        %sub3A_38 = arith.constant 199 : i32
        %sub3A_39 = arith.subi %sub3A_38, %add3A_9 : i32
        %add3A_40 = arith.constant 2 : i32
        %add3A_41 = arith.addi %sub3A_39, %add3A_40 : i32
        %ge3A_42 = arith.constant 2 : i32
        %ge3A_43 = arith.cmpi sge, %add3A_9, %ge3A_42 : i32
        %sub3A_44 = arith.constant 199 : i32
        %sub3A_45 = arith.subi %add3A_9, %sub3A_44 : i32
        %le3A_46 = arith.constant 2 : i32
        %le3A_47 = arith.cmpi sle, %sub3A_45, %le3A_46 : i32
        %and3A_48 = arith.andi %ge3A_43, %le3A_47 : i1
        %convert_element_type3A_49 = arith.extui %and3A_48 : i1 to i32
        %cond3A_50 = arith.constant 0 : i32
        %cond3A_51 = arith.cmpi ne, %convert_element_type3A_49, %cond3A_50 : i32
        scf.if %cond3A_51 {
          "tpu.region"() ({
            %run_scoped3A = tpu.sem_alloc : memref<!tpu.dma_semaphore, #tpu.memory_space<semaphore_mem>>
            %dma_start3A = arith.constant 128 : i32
            %dma_start3A_80 = arith.constant 0 : i32
            %dma_start3A_81 = tpu.memref_slice %arg3[%add3A_41, %dma_start3A, %dma_start3A_80] : memref<200x320x1024xf32, #tpu.memory_space<hbm>> -> memref<1x64x1024xf32, #tpu.memory_space<hbm>>
            %dma_start3A_82 = tpu.memref_squeeze %dma_start3A_81 : memref<1x64x1024xf32, #tpu.memory_space<hbm>> -> memref<64x1024xf32, #tpu.memory_space<hbm>>
            %dma_start3A_83 = arith.constant 128 : i32
            %dma_start3A_84 = arith.constant 0 : i32
            %dma_start3A_85 = tpu.memref_slice %arg3[%add3A_41, %dma_start3A_83, %dma_start3A_84] : memref<200x320x1024xf32, #tpu.memory_space<hbm>> -> memref<1x64x1024xf32, #tpu.memory_space<hbm>>
            %dma_start3A_86 = tpu.memref_squeeze %dma_start3A_85 : memref<1x64x1024xf32, #tpu.memory_space<hbm>> -> memref<64x1024xf32, #tpu.memory_space<hbm>>
            tpu.enqueue_dma source(%arg4 : memref<64x1024xf32, #tpu.memory_space<vmem>>) target(%dma_start3A_86 : memref<64x1024xf32, #tpu.memory_space<hbm>>) target_semaphore(%run_scoped3A : memref<!tpu.dma_semaphore, #tpu.memory_space<semaphore_mem>>)
            %dma_wait3A = arith.constant 128 : i32
            %dma_wait3A_87 = arith.constant 0 : i32
            %dma_wait3A_88 = tpu.memref_slice %arg3[%add3A_41, %dma_wait3A, %dma_wait3A_87] : memref<200x320x1024xf32, #tpu.memory_space<hbm>> -> memref<1x64x1024xf32, #tpu.memory_space<hbm>>
            %dma_wait3A_89 = tpu.memref_squeeze %dma_wait3A_88 : memref<1x64x1024xf32, #tpu.memory_space<hbm>> -> memref<64x1024xf32, #tpu.memory_space<hbm>>
            %dma_wait3A_90 = arith.constant 128 : i32
            %dma_wait3A_91 = arith.constant 0 : i32
            %dma_wait3A_92 = tpu.memref_slice %arg3[%add3A_41, %dma_wait3A_90, %dma_wait3A_91] : memref<200x320x1024xf32, #tpu.memory_space<hbm>> -> memref<1x64x1024xf32, #tpu.memory_space<hbm>>
            %dma_wait3A_93 = tpu.memref_squeeze %dma_wait3A_92 : memref<1x64x1024xf32, #tpu.memory_space<hbm>> -> memref<64x1024xf32, #tpu.memory_space<hbm>>
            tpu.wait_dma2 semaphore(%run_scoped3A : memref<!tpu.dma_semaphore, #tpu.memory_space<semaphore_mem>>) src(%arg4 : memref<64x1024xf32, #tpu.memory_space<vmem>>) dst(%dma_wait3A_93 : memref<64x1024xf32, #tpu.memory_space<hbm>>)
            tpu.yield
          }) : () -> ()
        } else {
        }
        %sub3A_52 = arith.constant 199 : i32
        %sub3A_53 = arith.subi %sub3A_52, %add3A_9 : i32
        %add3A_54 = arith.constant 3 : i32
        %add3A_55 = arith.addi %sub3A_53, %add3A_54 : i32
        %ge3A_56 = arith.constant 3 : i32
        %ge3A_57 = arith.cmpi sge, %add3A_9, %ge3A_56 : i32
        %sub3A_58 = arith.constant 199 : i32
        %sub3A_59 = arith.subi %add3A_9, %sub3A_58 : i32
        %le3A_60 = arith.constant 3 : i32
        %le3A_61 = arith.cmpi sle, %sub3A_59, %le3A_60 : i32
        %and3A_62 = arith.andi %ge3A_57, %le3A_61 : i1
        %convert_element_type3A_63 = arith.extui %and3A_62 : i1 to i32
        %cond3A_64 = arith.constant 0 : i32
        %cond3A_65 = arith.cmpi ne, %convert_element_type3A_63, %cond3A_64 : i32
        scf.if %cond3A_65 {
          "tpu.region"() ({
            %run_scoped3A = tpu.sem_alloc : memref<!tpu.dma_semaphore, #tpu.memory_space<semaphore_mem>>
            %dma_start3A = arith.constant 192 : i32
            %dma_start3A_80 = arith.constant 0 : i32
            %dma_start3A_81 = tpu.memref_slice %arg3[%add3A_55, %dma_start3A, %dma_start3A_80] : memref<200x320x1024xf32, #tpu.memory_space<hbm>> -> memref<1x64x1024xf32, #tpu.memory_space<hbm>>
            %dma_start3A_82 = tpu.memref_squeeze %dma_start3A_81 : memref<1x64x1024xf32, #tpu.memory_space<hbm>> -> memref<64x1024xf32, #tpu.memory_space<hbm>>
            %dma_start3A_83 = arith.constant 192 : i32
            %dma_start3A_84 = arith.constant 0 : i32
            %dma_start3A_85 = tpu.memref_slice %arg3[%add3A_55, %dma_start3A_83, %dma_start3A_84] : memref<200x320x1024xf32, #tpu.memory_space<hbm>> -> memref<1x64x1024xf32, #tpu.memory_space<hbm>>
            %dma_start3A_86 = tpu.memref_squeeze %dma_start3A_85 : memref<1x64x1024xf32, #tpu.memory_space<hbm>> -> memref<64x1024xf32, #tpu.memory_space<hbm>>
            tpu.enqueue_dma source(%arg4 : memref<64x1024xf32, #tpu.memory_space<vmem>>) target(%dma_start3A_86 : memref<64x1024xf32, #tpu.memory_space<hbm>>) target_semaphore(%run_scoped3A : memref<!tpu.dma_semaphore, #tpu.memory_space<semaphore_mem>>)
            %dma_wait3A = arith.constant 192 : i32
            %dma_wait3A_87 = arith.constant 0 : i32
            %dma_wait3A_88 = tpu.memref_slice %arg3[%add3A_55, %dma_wait3A, %dma_wait3A_87] : memref<200x320x1024xf32, #tpu.memory_space<hbm>> -> memref<1x64x1024xf32, #tpu.memory_space<hbm>>
            %dma_wait3A_89 = tpu.memref_squeeze %dma_wait3A_88 : memref<1x64x1024xf32, #tpu.memory_space<hbm>> -> memref<64x1024xf32, #tpu.memory_space<hbm>>
            %dma_wait3A_90 = arith.constant 192 : i32
            %dma_wait3A_91 = arith.constant 0 : i32
            %dma_wait3A_92 = tpu.memref_slice %arg3[%add3A_55, %dma_wait3A_90, %dma_wait3A_91] : memref<200x320x1024xf32, #tpu.memory_space<hbm>> -> memref<1x64x1024xf32, #tpu.memory_space<hbm>>
            %dma_wait3A_93 = tpu.memref_squeeze %dma_wait3A_92 : memref<1x64x1024xf32, #tpu.memory_space<hbm>> -> memref<64x1024xf32, #tpu.memory_space<hbm>>
            tpu.wait_dma2 semaphore(%run_scoped3A : memref<!tpu.dma_semaphore, #tpu.memory_space<semaphore_mem>>) src(%arg4 : memref<64x1024xf32, #tpu.memory_space<vmem>>) dst(%dma_wait3A_93 : memref<64x1024xf32, #tpu.memory_space<hbm>>)
            tpu.yield
          }) : () -> ()
        } else {
        }
        %sub3A_66 = arith.constant 199 : i32
        %sub3A_67 = arith.subi %sub3A_66, %add3A_9 : i32
        %add3A_68 = arith.constant 4 : i32
        %add3A_69 = arith.addi %sub3A_67, %add3A_68 : i32
        %ge3A_70 = arith.constant 4 : i32
        %ge3A_71 = arith.cmpi sge, %add3A_9, %ge3A_70 : i32
        %sub3A_72 = arith.constant 199 : i32
        %sub3A_73 = arith.subi %add3A_9, %sub3A_72 : i32
        %le3A_74 = arith.constant 4 : i32
        %le3A_75 = arith.cmpi sle, %sub3A_73, %le3A_74 : i32
        %and3A_76 = arith.andi %ge3A_71, %le3A_75 : i1
        %convert_element_type3A_77 = arith.extui %and3A_76 : i1 to i32
        %cond3A_78 = arith.constant 0 : i32
        %cond3A_79 = arith.cmpi ne, %convert_element_type3A_77, %cond3A_78 : i32
        scf.if %cond3A_79 {
          "tpu.region"() ({
            %run_scoped3A = tpu.sem_alloc : memref<!tpu.dma_semaphore, #tpu.memory_space<semaphore_mem>>
            %dma_start3A = arith.constant 256 : i32
            %dma_start3A_80 = arith.constant 0 : i32
            %dma_start3A_81 = tpu.memref_slice %arg3[%add3A_69, %dma_start3A, %dma_start3A_80] : memref<200x320x1024xf32, #tpu.memory_space<hbm>> -> memref<1x64x1024xf32, #tpu.memory_space<hbm>>
            %dma_start3A_82 = tpu.memref_squeeze %dma_start3A_81 : memref<1x64x1024xf32, #tpu.memory_space<hbm>> -> memref<64x1024xf32, #tpu.memory_space<hbm>>
            %dma_start3A_83 = arith.constant 256 : i32
            %dma_start3A_84 = arith.constant 0 : i32
            %dma_start3A_85 = tpu.memref_slice %arg3[%add3A_69, %dma_start3A_83, %dma_start3A_84] : memref<200x320x1024xf32, #tpu.memory_space<hbm>> -> memref<1x64x1024xf32, #tpu.memory_space<hbm>>
            %dma_start3A_86 = tpu.memref_squeeze %dma_start3A_85 : memref<1x64x1024xf32, #tpu.memory_space<hbm>> -> memref<64x1024xf32, #tpu.memory_space<hbm>>
            tpu.enqueue_dma source(%arg4 : memref<64x1024xf32, #tpu.memory_space<vmem>>) target(%dma_start3A_86 : memref<64x1024xf32, #tpu.memory_space<hbm>>) target_semaphore(%run_scoped3A : memref<!tpu.dma_semaphore, #tpu.memory_space<semaphore_mem>>)
            %dma_wait3A = arith.constant 256 : i32
            %dma_wait3A_87 = arith.constant 0 : i32
            %dma_wait3A_88 = tpu.memref_slice %arg3[%add3A_69, %dma_wait3A, %dma_wait3A_87] : memref<200x320x1024xf32, #tpu.memory_space<hbm>> -> memref<1x64x1024xf32, #tpu.memory_space<hbm>>
            %dma_wait3A_89 = tpu.memref_squeeze %dma_wait3A_88 : memref<1x64x1024xf32, #tpu.memory_space<hbm>> -> memref<64x1024xf32, #tpu.memory_space<hbm>>
            %dma_wait3A_90 = arith.constant 256 : i32
            %dma_wait3A_91 = arith.constant 0 : i32
            %dma_wait3A_92 = tpu.memref_slice %arg3[%add3A_69, %dma_wait3A_90, %dma_wait3A_91] : memref<200x320x1024xf32, #tpu.memory_space<hbm>> -> memref<1x64x1024xf32, #tpu.memory_space<hbm>>
            %dma_wait3A_93 = tpu.memref_squeeze %dma_wait3A_92 : memref<1x64x1024xf32, #tpu.memory_space<hbm>> -> memref<64x1024xf32, #tpu.memory_space<hbm>>
            tpu.wait_dma2 semaphore(%run_scoped3A : memref<!tpu.dma_semaphore, #tpu.memory_space<semaphore_mem>>) src(%arg4 : memref<64x1024xf32, #tpu.memory_space<vmem>>) dst(%dma_wait3A_93 : memref<64x1024xf32, #tpu.memory_space<hbm>>)
            tpu.yield
          }) : () -> ()
        } else {
        }
      } else {
      }
    }
    %scan3A_5 = arith.constant 7 : i32
    return
  }
}

module attributes {stable_mosaic.version = 14 : i64} {
  func.func @_transpose_body(%arg0: i32, %arg1: memref<1x1024x128xf32, #tpu.memory_space<vmem>>, %arg2: memref<64x1024xf32, #tpu.memory_space<vmem>>) attributes {dimension_semantics = [#tpu.dimension_semantics<arbitrary>], iteration_bounds = array<i64: 204>, scalar_prefetch = 0 : i64, scratch_operands = 0 : i64, tpu.core_type = #tpu.core_type<tc>, window_params = [{transform_indices = @transform_0, window_bounds = array<i64: 1, 1024, 128>}, {transform_indices = @transform_1, window_bounds = array<i64: 64, 1024>}]} {
    %le3A = arith.constant 199 : i32
    %le3A_0 = arith.cmpi sle, %arg0, %le3A : i32
    %convert_element_type3A = arith.extui %le3A_0 : i1 to i32
    %cond3A = arith.constant 0 : i32
    %cond3A_1 = arith.cmpi ne, %convert_element_type3A, %cond3A : i32
    scf.if %cond3A_1 {
      %get3A = arith.constant 0 : index
      %get3A_6 = arith.constant 0 : index
      %get3A_7 = arith.constant 0 : index
      %get3A_8 = vector.load %arg1[%get3A, %get3A_6, %get3A_7] : memref<1x1024x128xf32, #tpu.memory_space<vmem>>, vector<1x1024x64xf32>
      %get3A_9 = vector.shape_cast %get3A_8 : vector<1x1024x64xf32> to vector<1024x64xf32>
      %transpose3A = tpu.transpose %get3A_9, [1, 0] : vector<1024x64xf32> -> vector<64x1024xf32>
      %swap3A = arith.constant 0 : index
      %swap3A_10 = arith.constant 0 : index
      %swap3A_11 = vector.load %arg2[%swap3A, %swap3A_10] : memref<64x1024xf32, #tpu.memory_space<vmem>>, vector<64x1024xf32>
      tpu.vector_store %arg2[%swap3A, %swap3A_10], %transpose3A {strides = array<i32>} : memref<64x1024xf32, #tpu.memory_space<vmem>>, vector<64x1024xf32>,
    } else {
    }
    %gt3A = arith.constant 199 : i32
    %gt3A_2 = arith.cmpi sgt, %arg0, %gt3A : i32
    %convert_element_type3A_3 = arith.extui %gt3A_2 : i1 to i32
    %cond3A_4 = arith.constant 0 : i32
    %cond3A_5 = arith.cmpi ne, %convert_element_type3A_3, %cond3A_4 : i32
    scf.if %cond3A_5 {
      %broadcast_in_dim3A = arith.constant 0.000000e+00 : f32
      %broadcast_in_dim3A_6 = vector.broadcast %broadcast_in_dim3A : f32 to vector<64x1024xf32>
      %swap3A = arith.constant 0 : index
      %swap3A_7 = arith.constant 0 : index
      %swap3A_8 = vector.load %arg2[%swap3A, %swap3A_7] : memref<64x1024xf32, #tpu.memory_space<vmem>>, vector<64x1024xf32>
      tpu.vector_store %arg2[%swap3A, %swap3A_7], %broadcast_in_dim3A_6 {strides = array<i32>} : memref<64x1024xf32, #tpu.memory_space<vmem>>, vector<64x1024xf32>,
    } else {
    }
    return
  }
  func.func @transform_0(%arg0: i32) -> (i32, i32, i32) {
    %sub3A = arith.constant 199 : i32
    %sub3A_0 = arith.subi %sub3A, %arg0 : i32
    %max3A = arith.constant 0 : i32
    %max3A_1 = arith.maxsi %sub3A_0, %max3A : i32
    %c0_i32 = arith.constant 0 : i32
    %c0_i32_2 = arith.constant 0 : i32
    %c0_i32_3 = arith.constant 0 : i32
    return %max3A_1, %c0_i32, %c0_i32_2 : i32, i32, i32
  }
  func.func @transform_1(%arg0: i32) -> (i32, i32) {
    %c0_i32 = arith.constant 0 : i32
    %c0_i32_0 = arith.constant 0 : i32
    return %arg0, %c0_i32 : i32, i32
  }
}

</mosaic_0001>

<sc_bundles>
// kernel: kernel.5.cloned.1.call-start
scs
__scs_entry_jumppad:
0x0: {  	(pc) =	sbr.rel $0x88, $3  }
0x1: {  	(tag) =	ssettag $0x0;
	lr =	simm.s32 $0x1  }
0x2: {  	[smem:$0x3F9F] =	sst lr;
	_ =	strace $0xD0000000  }
0x3: {  	_ = 	snop  }
0x4: {  	_ = 	snop  }
0x5: {  	_ = 	snop  }
0x6: {  	_ = 	snop  }
0x7: {  	_ = 	snop  }
__scs_overlays_trampoline_lowered:
0x8: {  	[smem:$0x3FAE] =	sst s0  }
0x9: {  	[smem:$0x3FAF] =	sst s1  }
0xa: {  	[smem:$0x3FB0] =	sst s2  }
0xb: {  	[smem:$0x3FB1] =	sst s3  }
0xc: {  	[smem:$0x3FB2] =	sst s4  }
0xd: {  	[smem:$0x3FB3] =	sst s5  }
0xe: {  	[smem:$0x3FB4] =	sst s6  }
0xf: {  	[smem:$0x3FB5] =	sst s7  }
0x10: {  	[smem:$0x3FB6] =	sst s8  }
0x11: {  	[smem:$0x3FB7] =	sst s9;
	s0 =	simm.s32 @!p0 $0x0  }
0x12: {  	s1 =	sld [smem:$0x3F9D];
	s0 =	simm.s32 @p0 $0x1  }
0x13: {  	[smem:$0x3FB8] =	sst s0;
	s0 =	simm.s32 @!p1 $0x0  }
0x14: {  	s2 =	sld [smem:$0x3F9C];
	s0 =	simm.s32 @p1 $0x1  }
0x15: {  	[smem:$0x3FB9] =	sst s0;
	s0 =	simm.s32 @!p2 $0x0  }
0x16: {  	s3 =	sld [smem:$0x3FDB];
	s0 =	simm.s32 @p2 $0x1  }
0x17: {  	s4 =	simm.s32 $0x1BF5;
	[smem:$0x3FBB] =	sst s0  }
0x18: {  	s0 =	sld [smem:$0x3F9E];
	_ =	swait.ge [sflag:s4], $0x0  }
0x19: {  	s7 =	sld [smem:$0x3F9F]  }
0x1a: {  	s8 =	sadd.s32 $0xFFFFE003, lr  }
0x1b: {  	s9 =	sadd.s32 $0xFFFFFEF7, lr;
	s5 =	simm.s32 $0xFFFFFFFF;
	p2 =	slt.u32 s8, $0xFFFFF086  }
0x1c: {  	p1 =	slt.u32 s9, $0xF7A;
	s5 =	simm.s32 @!p2 $0x0  }
0x1d: {  	s5 =	simm.s32 @p1 $0x1;
	p0 =	seq.s32 s7, s2  }
0x1e: {  	s7 =	smul.u32 @!p0 $0xF7A, s2;
	p2 =	seq.s32 @!p0 s5, $0x0  }
0x1f: {  	s9 =	smul.u32 $0xF7A, s1;
	s8 =	simm.s32 @!p0 $0x1BF5;
	p2 =	por !p2, p0  }
0x20: {  	[sflag:s8] =	ssyncset.s32 @!p0 $0xFFFFF086;
	s6 =	sadd.s32 @!p0 s3, s7;
	s7 =	simm.s32 @!p0 $0x108  }
0x21: {  	s3 =	sadd.s32 s3, s9;
	s6 =	sadd.s32 @!p0 $0x88, s6;
	s7 =	simm.s32 @p2 $0x1082  }
0x22: {  	[simem:s7], [sflag:s8] =	dma.local @!p0 [hbm:s6], $0xF7A  }
0x23: {  	s9 =	sor.u32 $0xD0000000, s2;
	s6 =	simm.s32 $0x108;
	_ =	swait.ge @!p0 [sflag:s8], $0x0  }
0x24: {  	s3 =	sadd.s32 $0x88, s3;
	s6 =	simm.s32 @!p1 $0x1082;
	[sflag:s4] =	ssyncset.s32 $0xFFFFF086  }
0x25: {  	[simem:s6], [sflag:s4] =	dma.local [hbm:s3], $0xF7A  }
0x26: {  	[smem:$0x3F9F] =	sst s1;
	(tag) =	ssettag s2;
	_ =	strace s9  }
0x27: {  	s1 =	sld [smem:$0x3FAF]  }
0x28: {  	s2 =	sld [smem:$0x3FB0]  }
0x29: {  	s4 =	sld [smem:$0x3FB2]  }
0x2a: {  	p0 =	seq.s32 s5, $0x0;
	s5 =	sld [smem:$0x3FB3]  }
0x2b: {  	s6 =	sld [smem:$0x3FB4]  }
0x2c: {  	s7 =	sld [smem:$0x3FB5]  }
0x2d: {  	s3 =	simm.s32 $0x108;
	s8 =	sld [smem:$0x3FB6]  }
0x2e: {  	s3 =	simm.s32 @!p0 $0x1082;
	s9 =	sld [smem:$0x3FB7]  }
0x2f: {  	lr =	sadd.s32 s0, s3;
	s0 =	sld [smem:$0x3FAE]  }
0x30: {  	s3 =	sld [smem:$0x3FB1]  }
0x31: {  	[smem:$0x3FBA] =	sst s10  }
0x32: {  	s10 =	sld [smem:$0x3FB8];
	_ =	sdelay $0x3  }
0x33: {  	p0 =	seq.s32 s10, $0x1;
	s10 =	sld [smem:$0x3FBA];
	_ =	sdelay $0x3  }
0x34: {  	[smem:$0x3FBA] =	sst s10  }
0x35: {  	s10 =	sld [smem:$0x3FB9];
	_ =	sdelay $0x3  }
0x36: {  	p1 =	seq.s32 s10, $0x1;
	s10 =	sld [smem:$0x3FBA];
	_ =	sdelay $0x3  }
0x37: {  	[smem:$0x3FBA] =	sst s10  }
0x38: {  	s10 =	sld [smem:$0x3FBB]  }
0x39: {  	_ = 	snop;
	(pc) =	sbr.ind lr, $3  }
0x3a: {  	_ = 	snop  }
0x3b: {  	_ = 	snop  }
0x3c: {  	p2 =	seq.s32 s10, $0x1;
	s10 =	sld [smem:$0x3FBA]  }
0x3d: {  	_ =	shalt  }
0x3e: {  	_ =	shalt  }
0x3f: {  	_ =	shalt  }
0x40: {  	_ =	shalt  }
0x41: {  	_ =	shalt  }
0x42: {  	_ =	shalt  }
0x43: {  	_ =	shalt  }
0x44: {  	_ =	shalt  }
0x45: {  	_ =	shalt  }
0x46: {  	_ =	shalt  }
0x47: {  	_ =	shalt  }
0x48: {  	_ =	shalt  }
0x49: {  	_ =	shalt  }
0x4a: {  	_ =	shalt  }
0x4b: {  	_ =	shalt  }
0x4c: {  	_ =	shalt  }
0x4d: {  	_ =	shalt  }
0x4e: {  	_ =	shalt  }
0x4f: {  	_ =	shalt  }
0x50: {  	_ =	shalt  }
0x51: {  	_ =	shalt  }
0x52: {  	_ =	shalt  }
0x53: {  	_ =	shalt  }
0x54: {  	_ =	shalt  }
0x55: {  	_ =	shalt  }
0x56: {  	_ =	shalt  }
0x57: {  	_ =	shalt  }
0x58: {  	_ =	shalt  }
0x59: {  	_ =	shalt  }
0x5a: {  	_ =	shalt  }
0x5b: {  	_ =	shalt  }
0x5c: {  	_ =	shalt  }
0x5d: {  	_ =	shalt  }
0x5e: {  	_ =	shalt  }
0x5f: {  	_ =	shalt  }
0x60: {  	_ =	shalt  }
0x61: {  	_ =	shalt  }
0x62: {  	_ =	shalt  }
0x63: {  	_ =	shalt  }
0x64: {  	_ =	shalt  }
0x65: {  	_ =	shalt  }
0x66: {  	_ =	shalt  }
0x67: {  	_ =	shalt  }
0x68: {  	_ =	shalt  }
0x69: {  	_ =	shalt  }
0x6a: {  	_ =	shalt  }
0x6b: {  	_ =	shalt  }
0x6c: {  	_ =	shalt  }
0x6d: {  	_ =	shalt  }
0x6e: {  	_ =	shalt  }
0x6f: {  	_ =	shalt  }
0x70: {  	_ =	shalt  }
0x71: {  	_ =	shalt  }
0x72: {  	_ =	shalt  }
0x73: {  	_ =	shalt  }
0x74: {  	_ =	shalt  }
0x75: {  	_ =	shalt  }
0x76: {  	_ =	shalt  }
0x77: {  	_ =	shalt  }
0x78: {  	_ =	shalt  }
0x79: {  	_ =	shalt  }
0x7a: {  	_ =	shalt  }
0x7b: {  	_ =	shalt  }
0x7c: {  	_ =	shalt  }
0x7d: {  	_ =	shalt  }
0x7e: {  	_ =	shalt  }
0x7f: {  	_ =	shalt  }
0x80: {  	_ =	shalt  }
0x81: {  	_ =	shalt  }
0x82: {  	_ =	shalt  }
0x83: {  	_ =	shalt  }
0x84: {  	_ =	shalt  }
0x85: {  	_ =	shalt  }
0x86: {  	_ =	shalt  }
0x87: {  	_ =	shalt  }
.Lfunc_end0:
.L_simem_size_0:
called_computation_lowered:
.L_overlay_start_0:
0x88: {  	s2 =	sld [smem:$0x3FD9]  }
0x89: {  	s3 =	sld [smem:$0x3FFE];
	_ =	sdelay $0x1  }
0x8a: {  	s1 =	srdreg.scid  }
0x8b: {  	s0 =	sand.u32 $0x1, s1  }
0x8c: {  	s17 =	sshll.u32 s0, $0xA;
	s2 =	sadd.s32 s3, s2  }
0x8d: {  	s2 =	sadd.s32 s2, s17  }
0x8e: {  	[smem:$0x3FC6] =	sst s2  }
0x8f: {  	_ = 	snop  }
0x90: {  	s2 =	sld [smem:$0x3FD0];
	(tm) =	ssettm $0x1  }
0x91: {  	s18 =	sld [smem:$0x3FFB];
	_ =	sdelay $0x3  }
0x92: {  	_ =	strace s18  }
0x93: {  	s3 =	sld [smem:$0x3FFC];
	_ =	sdelay $0x3  }
0x94: {  	_ =	strace s3  }
0x95: {  	s3 =	sld [smem:$0x3FFD];
	_ =	sdelay $0x3  }
0x96: {  	_ =	strace s3  }
0x97: {  	_ =	strace $0x8FFFFFFF  }
0x98: {  	s19 =	sld [smem:$0x3FDB];
	_ =	sdelay $0x1  }
0x99: {  	s4 =	simm.s32 $_scs_section_size  }
0x9a: {  	s5 =	simm.s32 $_size__tile_overlayer_lowered;
	s6 =	simm.s32 $_tile_overlayer_lowered  }
0x9b: {  	s22 =	simm.s32 $0x1BFF;
	s21 =	sshll.u32 s6, $0x1;
	s3 =	sadd.s32 s4, s19  }
0x9c: {  	s7 =	simm.s32 $0x0;
	s20 =	sshll.u32 s5, $0x1;
	s5 =	sadd.s32 s21, s3  }
0x9d: {  	[timem:s7], [sflag:s22] =	dma.local [hbm:s5], s20  }
0x9e: {  	_ =	swait.ge [sflag:s22], s20  }
0x9f: {  	s4 =	ssub.s32 $0x0, s20;
	[sflag:s22] =	ssyncset.done $0x0  }
0xa0: {  	[sflag:s22] =	ssyncadd.s32 s4;
	_ =	sdelay $0x1  }
0xa1: {  	s23 =	simm.s32 $0x1B8B  }
0xa2: {  	_ =	swait.ge [sflag:s23], $0x1  }
0xa3: {  	[sflag:s23] =	ssyncset.done $0x0  }
0xa4: {  	s25 =	simm.s32 $0x1B8E;
	s24 =	sld [smem:$0x3FFE];
	[sflag:s23] =	ssyncadd.s32 $0xFFFFFFFF  }
0xa5: {  	s26 =	simm.s32 $execute0_lowered;
	[smem:$0x3FD2] =	sst s25  }
0xa6: {  	s5 =	sshll.u32 s26, $0x1;
	_ =	strace $0x80000046;
	[dreg:$0x1] =	wrdreg $0xFFFFFFFF  }
0xa7: {  	s28 =	simm.s32 $_size_execute0_lowered;
	s3 =	sadd.s32 s3, s5;
	[dreg:$0x0] =	wrdreg $0x0  }
0xa8: {  	s5 =	sshll.u32 s28, $0x1;
	[dreg:$0x2] =	wrdreg s3  }
0xa9: {  	[dreg:$0x3] =	wrdreg s5  }
0xaa: {  	[dreg:$0x4] =	wrdreg $0xC0  }
0xab: {  	_ =	task [dreg:s7], $0x5FFFF  }
0xac: {  	[dreg:$0x1] =	wrdreg $0xFFFFFFFF  }
0xad: {  	[dreg:$0x0] =	wrdreg $0x60  }
0xae: {  	[dreg:$0x2] =	wrdreg s24  }
0xaf: {  	[dreg:$0x3] =	wrdreg s2  }
0xb0: {  	[dreg:$0x4] =	wrdreg $0x9  }
0xb1: {  	_ =	task.clear_ibuf [dreg:s7], $0x5FFFF;
	_ =	strace $0x90000046  }
0xb2: {  	s29 =	simm.s32 $0x9;
	_ =	strace $0x80000048  }
0xb3: {  	_ =	swait.ge [sflag:s29], $0x1  }
0xb4: {  	[sflag:s29] =	ssyncadd.s32 $0xFFFFFFFF  }
0xb5: {  	_ =	strace $0x90000048  }
0xb6: {  	_ =	sfence  }
0xb7: {  	s30 =	sld [smem:$0x0];
	_ =	sdelay $0x2  }
0xb8: {  	s31 =	sshll.u32 s1, $0xD;
	s1 =	sshrl.u32 s1, $0x2  }
0xb9: {  	s3 =	sand.u32 $0x4000, s31;
	s1 =	sadd.s32 s1, s30  }
0xba: {  	s0 =	sor.u32 s3, s0;
	s1 =	sshll.u32 s1, $0x11  }
0xbb: {  	s0 =	sor.u32 s1, s0  }
0xbc: {  	s0 =	sadd.s32 $0x8F2B, s0  }
0xbd: {  	[sflag:s0] =	ssyncadd.remote.s32 $0x1  }
0xbe: {  	_ =	sfence.sel $0xFFFF  }
0xbf: {  	[dreg:$0x0] =	wrdreg $0xFFFFFFFF;
	(pc) =	sbr.abs _section_cstart, $3  }
0xc0: {  	[dreg:$0x1] =	wrdreg $0xFFFFFFFF  }
0xc1: {  	_ =	task.clear_ibuf [dreg:s7], $0x2FFFF;
	_ =	strace $0x9FFFFFFF  }
0xc2: {  	(tm) =	ssettm $0x7FFFFFFF  }
0xc3: {  	_ =	shalt  }
tec
execute0_lowered:
.L_overlay_start_1:
0x0: {  	(tag) =	ssettag $0x1  }
0x1: {  	s4 =	rddreg [dreg:$0x0]  }
0x2: {  	s5 =	rddreg [dreg:$0x1]  }
0x3: {  	s0 =	rddreg [dreg:$0x2];
	s2 =	simm.s32 $0x0;
	s1 =	stileid.u32  }
0x4: {  	s3 =	srdreg.scid;
	s11 =	simm.s32 $0x0;
	s7 =	smul.u32 $0x3200, s1  }
0x5: {  	[smem:$0x7FF] =	sst s2;
	s6 =	sand.u32 $0x1, s3;
	s10 =	smul.u32 $0x32000, s1  }
0x6: {  	s3 =	sadd.s32 $0xF49200, s4;
	s8 =	smul.u32 $0x1900, s6;
	s9 =	ssub.s32 $0x2, s6  }
0x7: {  	_ =	strace $0x80000047;
	s6 =	smul.u32 $0x19000, s6;
	s31 =	sshrl.u32 s9, $0x1  }
0x8: {  	s5 =	sadd.s32 s10, s5;
	s10 =	simm.s32 $0x1;
	s7 =	sadd.s32 s8, s7  }
0x9: {  	s8 =	ssub.s32 s9, s31;
	s5 =	sadd.s32 s6, s5;
	s7 =	sshrl.u32 s7, $0x3  }
0xa: {  	s9 =	simm.s32 $0x380;
	s7 =	sadd.s32 s7, s4;
	s4 =	smax.u32 s8, $0x1  }
0xb: {  	s8 =	simm.s32 $0x320;
	s6 =	sadd.s32 $0xF42E00, s7;
	s7 =	simm.s32 $0x2  }
.LBB2_1:
0xc: {  	s12 =	sadd.s32 $0x0, s6  }
0xd: {  	[tilespmem:s2], [sflag:$0x2] =	stream.linear.gather [hbm4b:s12+s2], $0x320, $0x38;
	[tilespmem:$0x19380] =	vst v63  }
0xe: {  	_ =	swait.ge [sflag:s7], $0x320  }
0xf: {  	[sflag:s7] =	ssyncset.done $0x0  }
0x10: {  	[sflag:s7] =	ssyncadd.s32 $0xFFFFFCE0  }
0x11: {  	[tilespmem:s9], [sflag:$0x1] =	stream.indirect.gather [hbm4b:s3+s8], $0x80, s2, s8, $0xb8;
	[tilespmem:$0x19380] =	vst v63  }
0x12: {  	_ =	swait.ge [sflag:s10], $0x19000  }
0x13: {  	[sflag:s10] =	ssyncset.done $0x0  }
0x14: {  	[sflag:s10] =	ssyncadd.s32 $0xFFFE7000  }
0x15: {  	[hbm4b:s5+s2] =	stream.linear.scatter [tilespmem:s9], [sflag:$0x2], $0x19000, $0x38;
	[tilespmem:$0x19380] =	vst v63  }
0x16: {  	s13 =	simm.s32 $0x64;
	_ =	swait.ge [sflag:s7], $0x19000  }
0x17: {  	s14 =	simm.s32 $0xC8;
	s12 =	sadd.s32 $0x3200, s5;
	[sflag:s7] =	ssyncset.done $0x0  }
.LBB2_2:
0x18: {  	s15 =	sadd.s32 s13, s6  }
0x19: {  	[sflag:s7] =	ssyncadd.s32 $0xFFFE7000;
	s13 =	smov.u32 s14;
	s16 =	sadd.s32 $0x64, s14  }
0x1a: {  	[tilespmem:s2], [sflag:$0x2] =	stream.linear.gather [hbm4b:s15+s2], $0x320, $0x38;
	[tilespmem:$0x19380] =	vst v63  }
0x1b: {  	p0 =	sne.s32 s14, $0x2BC;
	_ =	swait.ge [sflag:s7], $0x320  }
0x1c: {  	[sflag:s7] =	ssyncset.done $0x0  }
0x1d: {  	[sflag:s7] =	ssyncadd.s32 $0xFFFFFCE0  }
0x1e: {  	[tilespmem:s9], [sflag:$0x1] =	stream.indirect.gather [hbm4b:s3+s8], $0x80, s2, s8, $0xb8;
	[tilespmem:$0x19380] =	vst v63  }
0x1f: {  	_ =	swait.ge [sflag:s10], $0x19000  }
.Ltmp0:
0x20: {  	[sflag:s10] =	ssyncset.done $0x0;
	(pc) =	sbr.rel @p0 .LBB2_2-.Ltmp0, $4  }
0x21: {  	[sflag:s10] =	ssyncadd.s32 $0xFFFE7000  }
0x22: {  	[hbm4b:s12+s2] =	stream.linear.scatter [tilespmem:s9], [sflag:$0x2], $0x19000, $0x38;
	[tilespmem:$0x19380] =	vst v63  }
0x23: {  	_ =	swait.ge [sflag:s7], $0x19000  }
0x24: {  	s14 =	smov.u32 s16;
	s12 =	sadd.s32 $0x3200, s12;
	[sflag:s7] =	ssyncset.done $0x0  }
0x25: {  	s13 =	sadd.s32 s13, s6;
	[sflag:s7] =	ssyncadd.s32 $0xFFFE7000  }
0x26: {  	[tilespmem:s2], [sflag:$0x2] =	stream.linear.gather [hbm4b:s13+s2], $0x320, $0x38;
	[tilespmem:$0x19380] =	vst v63  }
0x27: {  	_ =	swait.ge [sflag:s7], $0x320  }
0x28: {  	[sflag:s7] =	ssyncset.done $0x0  }
0x29: {  	[sflag:s7] =	ssyncadd.s32 $0xFFFFFCE0  }
0x2a: {  	[tilespmem:s9], [sflag:$0x1] =	stream.indirect.gather [hbm4b:s3+s8], $0x80, s2, s8, $0xb8;
	[tilespmem:$0x19380] =	vst v63  }
0x2b: {  	s11 =	sadd.s32 $0x1, s11;
	_ =	swait.ge [sflag:s10], $0x19000  }
0x2c: {  	p0 =	sne.s32 s11, s4;
	[sflag:s10] =	ssyncset.done $0x0  }
.Ltmp1:
0x2d: {  	[sflag:s10] =	ssyncadd.s32 $0xFFFE7000;
	(pc) =	sbr.rel @p0 .LBB2_1-.Ltmp1, $4  }
0x2e: {  	[hbm4b:s12+s2] =	stream.linear.scatter [tilespmem:s9], [sflag:$0x2], $0x19000, $0x38;
	[tilespmem:$0x19380] =	vst v63  }
0x2f: {  	_ =	swait.ge [sflag:s7], $0x19000  }
0x30: {  	[sflag:s7] =	ssyncset.done $0x0  }
0x31: {  	[sflag:s7] =	ssyncadd.s32 $0xFFFE7000  }
0x32: {  	_ =	sfence.sel $0x180000  }
0x33: {  	[bflag:$0x0] =	sbarrier.arrive $0xFFFF  }
0x34: {  	p0 =	sne.s32 s1, $0x0;
	_ =	strace $0x90000047  }
0x35: {  	s0 =	sadd.s32 @!p0 $0x100000, s0;
	[bflag:$0x2] =	sbarrier.arrive $0xFFFF  }
0x36: {  	[sflag:s0] =	ssyncadd.tile.s32 @!p0 $0x1;
	_ =	shalt  }
.Lfunc_end2:
_tile_overlayer_lowered:
.L_overlay_start_2:
0x37: {  	(tag) =	ssettag $0x2  }
0x38: {  	s0 =	rddreg [dreg:$0x0];
	s2 =	stileid.u32  }
0x39: {  	s1 =	rddreg [dreg:$0x1];
	p0 =	sne.s32 s2, $0x0  }
0x3a: {  	s3 =	rddreg [dreg:$0x2];
	[bflag:$0x3] =	sbarrier.arrive $0xFFFF;
	s2 =	simm.s32 @!p0 $0x1C02  }
0x3b: {  	[timem:s3], [sflag:s2] =	dma.local @!p0 [hbm:s0], s1  }
0x3c: {  	s0 =	simm.s32 @!p0 $0x2  }
0x3d: {  	_ =	swait.ge @!p0 [sflag:s0], s1  }
0x3e: {  	s1 =	ssub.s32 @!p0 $0x0, s1;
	[sflag:s0] =	ssyncset.done @!p0 $0x0  }
0x3f: {  	[sflag:s0] =	ssyncadd.s32 @!p0 s1  }
0x40: {  	[bflag:$0x3] =	sbarrier.arrive $0xFFFF  }
0x41: {  	_ =	shalt  }

// kernel: kernel.8.cloned.1.call-start
scs
__scs_entry_jumppad:
0x0: {  	(pc) =	sbr.rel $0x88, $3  }
0x1: {  	(tag) =	ssettag $0x0;
	lr =	simm.s32 $0x1  }
0x2: {  	[smem:$0x3F9F] =	sst lr;
	_ =	strace $0xD0000000  }
0x3: {  	_ = 	snop  }
0x4: {  	_ = 	snop  }
0x5: {  	_ = 	snop  }
0x6: {  	_ = 	snop  }
0x7: {  	_ = 	snop  }
__scs_overlays_trampoline_lowered:
0x8: {  	[smem:$0x3FAE] =	sst s0  }
0x9: {  	[smem:$0x3FAF] =	sst s1  }
0xa: {  	[smem:$0x3FB0] =	sst s2  }
0xb: {  	[smem:$0x3FB1] =	sst s3  }
0xc: {  	[smem:$0x3FB2] =	sst s4  }
0xd: {  	[smem:$0x3FB3] =	sst s5  }
0xe: {  	[smem:$0x3FB4] =	sst s6  }
0xf: {  	[smem:$0x3FB5] =	sst s7  }
0x10: {  	[smem:$0x3FB6] =	sst s8  }
0x11: {  	[smem:$0x3FB7] =	sst s9;
	s0 =	simm.s32 @!p0 $0x0  }
0x12: {  	s1 =	sld [smem:$0x3F9D];
	s0 =	simm.s32 @p0 $0x1  }
0x13: {  	[smem:$0x3FB8] =	sst s0;
	s0 =	simm.s32 @!p1 $0x0  }
0x14: {  	s2 =	sld [smem:$0x3F9C];
	s0 =	simm.s32 @p1 $0x1  }
0x15: {  	[smem:$0x3FB9] =	sst s0;
	s0 =	simm.s32 @!p2 $0x0  }
0x16: {  	s3 =	sld [smem:$0x3FDB];
	s0 =	simm.s32 @p2 $0x1  }
0x17: {  	s4 =	simm.s32 $0x1BF5;
	[smem:$0x3FBB] =	sst s0  }
0x18: {  	s0 =	sld [smem:$0x3F9E];
	_ =	swait.ge [sflag:s4], $0x0  }
0x19: {  	s7 =	sld [smem:$0x3F9F]  }
0x1a: {  	s8 =	sadd.s32 $0xFFFFE003, lr  }
0x1b: {  	s9 =	sadd.s32 $0xFFFFFEF7, lr;
	s5 =	simm.s32 $0xFFFFFFFF;
	p2 =	slt.u32 s8, $0xFFFFF086  }
0x1c: {  	p1 =	slt.u32 s9, $0xF7A;
	s5 =	simm.s32 @!p2 $0x0  }
0x1d: {  	s5 =	simm.s32 @p1 $0x1;
	p0 =	seq.s32 s7, s2  }
0x1e: {  	s7 =	smul.u32 @!p0 $0xF7A, s2;
	p2 =	seq.s32 @!p0 s5, $0x0  }
0x1f: {  	s9 =	smul.u32 $0xF7A, s1;
	s8 =	simm.s32 @!p0 $0x1BF5;
	p2 =	por !p2, p0  }
0x20: {  	[sflag:s8] =	ssyncset.s32 @!p0 $0xFFFFF086;
	s6 =	sadd.s32 @!p0 s3, s7;
	s7 =	simm.s32 @!p0 $0x108  }
0x21: {  	s3 =	sadd.s32 s3, s9;
	s6 =	sadd.s32 @!p0 $0x88, s6;
	s7 =	simm.s32 @p2 $0x1082  }
0x22: {  	[simem:s7], [sflag:s8] =	dma.local @!p0 [hbm:s6], $0xF7A  }
0x23: {  	s9 =	sor.u32 $0xD0000000, s2;
	s6 =	simm.s32 $0x108;
	_ =	swait.ge @!p0 [sflag:s8], $0x0  }
0x24: {  	s3 =	sadd.s32 $0x88, s3;
	s6 =	simm.s32 @!p1 $0x1082;
	[sflag:s4] =	ssyncset.s32 $0xFFFFF086  }
0x25: {  	[simem:s6], [sflag:s4] =	dma.local [hbm:s3], $0xF7A  }
0x26: {  	[smem:$0x3F9F] =	sst s1;
	(tag) =	ssettag s2;
	_ =	strace s9  }
0x27: {  	s1 =	sld [smem:$0x3FAF]  }
0x28: {  	s2 =	sld [smem:$0x3FB0]  }
0x29: {  	s4 =	sld [smem:$0x3FB2]  }
0x2a: {  	p0 =	seq.s32 s5, $0x0;
	s5 =	sld [smem:$0x3FB3]  }
0x2b: {  	s6 =	sld [smem:$0x3FB4]  }
0x2c: {  	s7 =	sld [smem:$0x3FB5]  }
0x2d: {  	s3 =	simm.s32 $0x108;
	s8 =	sld [smem:$0x3FB6]  }
0x2e: {  	s3 =	simm.s32 @!p0 $0x1082;
	s9 =	sld [smem:$0x3FB7]  }
0x2f: {  	lr =	sadd.s32 s0, s3;
	s0 =	sld [smem:$0x3FAE]  }
0x30: {  	s3 =	sld [smem:$0x3FB1]  }
0x31: {  	[smem:$0x3FBA] =	sst s10  }
0x32: {  	s10 =	sld [smem:$0x3FB8];
	_ =	sdelay $0x3  }
0x33: {  	p0 =	seq.s32 s10, $0x1;
	s10 =	sld [smem:$0x3FBA];
	_ =	sdelay $0x3  }
0x34: {  	[smem:$0x3FBA] =	sst s10  }
0x35: {  	s10 =	sld [smem:$0x3FB9];
	_ =	sdelay $0x3  }
0x36: {  	p1 =	seq.s32 s10, $0x1;
	s10 =	sld [smem:$0x3FBA];
	_ =	sdelay $0x3  }
0x37: {  	[smem:$0x3FBA] =	sst s10  }
0x38: {  	s10 =	sld [smem:$0x3FBB]  }
0x39: {  	_ = 	snop;
	(pc) =	sbr.ind lr, $3  }
0x3a: {  	_ = 	snop  }
0x3b: {  	_ = 	snop  }
0x3c: {  	p2 =	seq.s32 s10, $0x1;
	s10 =	sld [smem:$0x3FBA]  }
0x3d: {  	_ =	shalt  }
0x3e: {  	_ =	shalt  }
0x3f: {  	_ =	shalt  }
0x40: {  	_ =	shalt  }
0x41: {  	_ =	shalt  }
0x42: {  	_ =	shalt  }
0x43: {  	_ =	shalt  }
0x44: {  	_ =	shalt  }
0x45: {  	_ =	shalt  }
0x46: {  	_ =	shalt  }
0x47: {  	_ =	shalt  }
0x48: {  	_ =	shalt  }
0x49: {  	_ =	shalt  }
0x4a: {  	_ =	shalt  }
0x4b: {  	_ =	shalt  }
0x4c: {  	_ =	shalt  }
0x4d: {  	_ =	shalt  }
0x4e: {  	_ =	shalt  }
0x4f: {  	_ =	shalt  }
0x50: {  	_ =	shalt  }
0x51: {  	_ =	shalt  }
0x52: {  	_ =	shalt  }
0x53: {  	_ =	shalt  }
0x54: {  	_ =	shalt  }
0x55: {  	_ =	shalt  }
0x56: {  	_ =	shalt  }
0x57: {  	_ =	shalt  }
0x58: {  	_ =	shalt  }
0x59: {  	_ =	shalt  }
0x5a: {  	_ =	shalt  }
0x5b: {  	_ =	shalt  }
0x5c: {  	_ =	shalt  }
0x5d: {  	_ =	shalt  }
0x5e: {  	_ =	shalt  }
0x5f: {  	_ =	shalt  }
0x60: {  	_ =	shalt  }
0x61: {  	_ =	shalt  }
0x62: {  	_ =	shalt  }
0x63: {  	_ =	shalt  }
0x64: {  	_ =	shalt  }
0x65: {  	_ =	shalt  }
0x66: {  	_ =	shalt  }
0x67: {  	_ =	shalt  }
0x68: {  	_ =	shalt  }
0x69: {  	_ =	shalt  }
0x6a: {  	_ =	shalt  }
0x6b: {  	_ =	shalt  }
0x6c: {  	_ =	shalt  }
0x6d: {  	_ =	shalt  }
0x6e: {  	_ =	shalt  }
0x6f: {  	_ =	shalt  }
0x70: {  	_ =	shalt  }
0x71: {  	_ =	shalt  }
0x72: {  	_ =	shalt  }
0x73: {  	_ =	shalt  }
0x74: {  	_ =	shalt  }
0x75: {  	_ =	shalt  }
0x76: {  	_ =	shalt  }
0x77: {  	_ =	shalt  }
0x78: {  	_ =	shalt  }
0x79: {  	_ =	shalt  }
0x7a: {  	_ =	shalt  }
0x7b: {  	_ =	shalt  }
0x7c: {  	_ =	shalt  }
0x7d: {  	_ =	shalt  }
0x7e: {  	_ =	shalt  }
0x7f: {  	_ =	shalt  }
0x80: {  	_ =	shalt  }
0x81: {  	_ =	shalt  }
0x82: {  	_ =	shalt  }
0x83: {  	_ =	shalt  }
0x84: {  	_ =	shalt  }
0x85: {  	_ =	shalt  }
0x86: {  	_ =	shalt  }
0x87: {  	_ =	shalt  }
.Lfunc_end0:
.L_simem_size_0:
called_computation.1_lowered:
.L_overlay_start_0:
0x88: {  	s2 =	sld [smem:$0x3FD9]  }
0x89: {  	s3 =	sld [smem:$0x3FFE];
	_ =	sdelay $0x1  }
0x8a: {  	s1 =	srdreg.scid  }
0x8b: {  	s0 =	sand.u32 $0x1, s1  }
0x8c: {  	s17 =	sshll.u32 s0, $0xA;
	s2 =	sadd.s32 s3, s2  }
0x8d: {  	s2 =	sadd.s32 s2, s17  }
0x8e: {  	[smem:$0x3FC6] =	sst s2  }
0x8f: {  	_ = 	snop  }
0x90: {  	s2 =	sld [smem:$0x3FD0];
	(tm) =	ssettm $0x1  }
0x91: {  	s18 =	sld [smem:$0x3FFB];
	_ =	sdelay $0x3  }
0x92: {  	_ =	strace s18  }
0x93: {  	s3 =	sld [smem:$0x3FFC];
	_ =	sdelay $0x3  }
0x94: {  	_ =	strace s3  }
0x95: {  	s3 =	sld [smem:$0x3FFD];
	_ =	sdelay $0x3  }
0x96: {  	_ =	strace s3  }
0x97: {  	_ =	strace $0x8FFFFFFF  }
0x98: {  	s19 =	sld [smem:$0x3FDB];
	_ =	sdelay $0x1  }
0x99: {  	s4 =	simm.s32 $_scs_section_size  }
0x9a: {  	s5 =	simm.s32 $_size__tile_overlayer_lowered;
	s6 =	simm.s32 $_tile_overlayer_lowered  }
0x9b: {  	s22 =	simm.s32 $0x1BFF;
	s21 =	sshll.u32 s6, $0x1;
	s3 =	sadd.s32 s4, s19  }
0x9c: {  	s7 =	simm.s32 $0x0;
	s20 =	sshll.u32 s5, $0x1;
	s5 =	sadd.s32 s21, s3  }
0x9d: {  	[timem:s7], [sflag:s22] =	dma.local [hbm:s5], s20  }
0x9e: {  	_ =	swait.ge [sflag:s22], s20  }
0x9f: {  	s4 =	ssub.s32 $0x0, s20;
	[sflag:s22] =	ssyncset.done $0x0  }
0xa0: {  	[sflag:s22] =	ssyncadd.s32 s4;
	_ =	sdelay $0x1  }
0xa1: {  	s23 =	simm.s32 $0x1B8B  }
0xa2: {  	_ =	swait.ge [sflag:s23], $0x1  }
0xa3: {  	[sflag:s23] =	ssyncset.done $0x0  }
0xa4: {  	s25 =	simm.s32 $0x1B8E;
	s24 =	sld [smem:$0x3FFE];
	[sflag:s23] =	ssyncadd.s32 $0xFFFFFFFF  }
0xa5: {  	s26 =	simm.s32 $execute0_lowered;
	[smem:$0x3FD2] =	sst s25  }
0xa6: {  	s5 =	sshll.u32 s26, $0x1;
	_ =	strace $0x80000049;
	[dreg:$0x1] =	wrdreg $0xFFFFFFFF  }
0xa7: {  	s28 =	simm.s32 $_size_execute0_lowered;
	s3 =	sadd.s32 s3, s5;
	[dreg:$0x0] =	wrdreg $0x0  }
0xa8: {  	s5 =	sshll.u32 s28, $0x1;
	[dreg:$0x2] =	wrdreg s3  }
0xa9: {  	[dreg:$0x3] =	wrdreg s5  }
0xaa: {  	[dreg:$0x4] =	wrdreg $0xC0  }
0xab: {  	_ =	task [dreg:s7], $0x5FFFF  }
0xac: {  	[dreg:$0x1] =	wrdreg $0xFFFFFFFF  }
0xad: {  	[dreg:$0x0] =	wrdreg $0x60  }
0xae: {  	[dreg:$0x2] =	wrdreg s24  }
0xaf: {  	[dreg:$0x3] =	wrdreg s2  }
0xb0: {  	[dreg:$0x4] =	wrdreg $0x9  }
0xb1: {  	_ =	task.clear_ibuf [dreg:s7], $0x5FFFF;
	_ =	strace $0x90000049  }
0xb2: {  	s29 =	simm.s32 $0x9;
	_ =	strace $0x8000004B  }
0xb3: {  	_ =	swait.ge [sflag:s29], $0x1  }
0xb4: {  	[sflag:s29] =	ssyncadd.s32 $0xFFFFFFFF  }
0xb5: {  	_ =	strace $0x9000004B  }
0xb6: {  	_ =	sfence  }
0xb7: {  	s30 =	sld [smem:$0x0];
	_ =	sdelay $0x2  }
0xb8: {  	s31 =	sshll.u32 s1, $0xD;
	s1 =	sshrl.u32 s1, $0x2  }
0xb9: {  	s3 =	sand.u32 $0x4000, s31;
	s1 =	sadd.s32 s1, s30  }
0xba: {  	s0 =	sor.u32 s3, s0;
	s1 =	sshll.u32 s1, $0x11  }
0xbb: {  	s0 =	sor.u32 s1, s0  }
0xbc: {  	s0 =	sadd.s32 $0x8F2B, s0  }
0xbd: {  	[sflag:s0] =	ssyncadd.remote.s32 $0x1  }
0xbe: {  	_ =	sfence.sel $0xFFFF  }
0xbf: {  	[dreg:$0x0] =	wrdreg $0xFFFFFFFF;
	(pc) =	sbr.abs _section_cstart, $3  }
0xc0: {  	[dreg:$0x1] =	wrdreg $0xFFFFFFFF  }
0xc1: {  	_ =	task.clear_ibuf [dreg:s7], $0x2FFFF;
	_ =	strace $0x9FFFFFFF  }
0xc2: {  	(tm) =	ssettm $0x7FFFFFFF  }
0xc3: {  	_ =	shalt  }
tec
execute0_lowered:
.L_overlay_start_1:
0x0: {  	(tag) =	ssettag $0x1  }
0x1: {  	s4 =	rddreg [dreg:$0x0];
	s2 =	srdreg.scid  }
0x2: {  	s1 =	rddreg [dreg:$0x1];
	s7 =	sand.u32 $0x1, s2  }
0x3: {  	s2 =	stileid.u32;
	s6 =	smul.u32 $0xA000, s7  }
0x4: {  	s0 =	rddreg [dreg:$0x2];
	s3 =	simm.s32 $0x0;
	s10 =	smul.u32 $0x14000, s2  }
0x5: {  	[smem:$0x7FF] =	sst s3;
	s5 =	ssub.s32 $0x2, s7;
	s29 =	smul.u32 $0x50000, s7  }
0x6: {  	s8 =	sshll.u32 s2, $0xE;
	s30 =	sshll.u32 s7, $0xD;
	s11 =	smul.u32 $0xA0000, s2  }
0x7: {  	_ =	strace $0x8000004A;
	s9 =	sshrl.u32 s5, $0x1;
	s4 =	sadd.s32 s8, s4  }
0x8: {  	s5 =	ssub.s32 s5, s9;
	s6 =	ssub.s32 s1, s6;
	s9 =	sadd.s32 s30, s4  }
0x9: {  	s8 =	sadd.s32 s11, s29;
	s4 =	sshll.u32 s2, $0x1;
	s10 =	ssub.s32 s6, s10  }
0xa: {  	s5 =	smax.u32 s5, $0x1;
	s6 =	sadd.s32 $0xA00, s9;
	s31 =	sor.u32 s7, s4  }
0xb: {  	s8 =	ssub.s32 $0x3E90000, s8;
	s7 =	sadd.s32 $0x7C6000, s10;
	[dreg:$0x3] =	wrdreg s31  }
.LBB2_1:
0xc: {  	s10 =	sadd.s32 $0x0, s4  }
0xd: {  	p0 =	sgt.u32 s10, $0xCB  }
0xe: {  	s9 =	simm.s32 @!p0 $0x0;
	s11 =	simm.s32 @!p0 $0x2  }
0xf: {  	[tilespmem:s9], [sflag:$0x2] =	stream.linear.gather @!p0 [hbm4b:s6+s9], $0x10000, $0x38;
	[tilespmem:$0x10000] =	vst v63  }
0x10: {  	p1 =	sgt.u32 @!p0 s10, $0xC7;
	_ =	swait.ge @!p0 [sflag:s11], $0x10000  }
0x11: {  	p2 =	por p1, p0;
	[sflag:s11] =	ssyncset.done @!p0 $0x0  }
0x12: {  	s9 =	simm.s32 @!p2 $0x0;
	[sflag:s11] =	ssyncadd.s32 @!p0 $0xFFFF0000;
	s11 =	simm.s32 @!p2 $0x2  }
0x13: {  	[hbm4b:s7+s9] =	stream.linear.scatter @!p2 [tilespmem:s9], [sflag:$0x2], $0x10000, $0x38;
	[tilespmem:$0x10000] =	vst v63  }
0x14: {  	_ =	swait.ge @!p2 [sflag:s11], $0x10000  }
0x15: {  	s13 =	sadd.s32 @!p0 $0x0, s4;
	s12 =	rddreg [dreg:$0x3]  }
0x16: {  	p1 =	slt.u32 @!p0 s10, $0x4;
	s10 =	sadd.s32 @!p0 $0xFFFFFFFE, s13;
	s12 =	sadd.s32 @!p0 $0x0, s12  }
0x17: {  	p3 =	sgt.u32 @!p0 s10, $0xC7;
	s13 =	sadd.s32 @!p0 $0xFFFFFFFF, s12  }
0x18: {  	s14 =	sadd.s32 $0x20, s4;
	p3 =	por p3, p0;
	p4 =	sgt.u32 @!p0 s13, $0xC7  }
0x19: {  	[sflag:s11] =	ssyncset.done @!p2 $0x0;
	s10 =	sadd.s32 @!p0 $0xFFFFFFFD, s12;
	p4 =	por p4, p0  }
0x1a: {  	[sflag:s11] =	ssyncadd.s32 @!p2 $0xFFFF0000;
	p2 =	sgt.u32 @!p0 s10, $0xC7;
	s10 =	sshrl.u32 @!p4 s8, $0x3  }
0x1b: {  	s11 =	simm.s32 @!p4 $0x0;
	s12 =	simm.s32 @!p4 $0x2;
	s10 =	sadd.s32 @!p4 s1, s10  }
0x1c: {  	[hbm4b:s10+s11] =	stream.linear.scatter @!p4 [tilespmem:s11], [sflag:$0x2], $0x10000, $0x38;
	[tilespmem:$0x10000] =	vst v63  }
0x1d: {  	s13 =	simm.s32 @!p3 $0x0;
	s10 =	sadd.s32 @!p3 $0x60000, s8;
	_ =	swait.ge @!p4 [sflag:s12], $0x10000  }
0x1e: {  	s11 =	simm.s32 @!p3 $0x2;
	s10 =	sshrl.u32 @!p3 s10, $0x3;
	[sflag:s12] =	ssyncset.done @!p4 $0x0  }
0x1f: {  	s10 =	sadd.s32 @!p3 s1, s10;
	[sflag:s12] =	ssyncadd.s32 @!p4 $0xFFFF0000;
	p4 =	por p2, p0  }
0x20: {  	[hbm4b:s10+s13] =	stream.linear.scatter @!p3 [tilespmem:s13], [sflag:$0x2], $0x10000, $0x38;
	[tilespmem:$0x10000] =	vst v63  }
0x21: {  	p2 =	por p1, p0;
	s10 =	sadd.s32 @!p4 $0xC0000, s8;
	_ =	swait.ge @!p3 [sflag:s11], $0x10000  }
0x22: {  	s13 =	simm.s32 @!p4 $0x2;
	s10 =	sshrl.u32 @!p4 s10, $0x3;
	[sflag:s11] =	ssyncset.done @!p3 $0x0  }
0x23: {  	s10 =	sadd.s32 @!p4 s1, s10;
	[sflag:s11] =	ssyncadd.s32 @!p3 $0xFFFF0000;
	s11 =	simm.s32 @!p4 $0x0  }
0x24: {  	[hbm4b:s10+s11] =	stream.linear.scatter @!p4 [tilespmem:s11], [sflag:$0x2], $0x10000, $0x38;
	[tilespmem:$0x10000] =	vst v63  }
0x25: {  	s9 =	simm.s32 $0x20;
	s10 =	sadd.s32 @!p2 $0x120000, s8;
	_ =	swait.ge @!p4 [sflag:s13], $0x10000  }
0x26: {  	s15 =	simm.s32 @!p2 $0x1;
	s10 =	sshrl.u32 @!p2 s10, $0x3;
	[sflag:s13] =	ssyncset.done @!p4 $0x0  }
0x27: {  	s11 =	simm.s32 @!p2 $0x0;
	s10 =	sadd.s32 @!p2 s1, s10;
	[sflag:s13] =	ssyncadd.s32 @!p4 $0xFFFF0000  }
0x28: {  	[hbm4b:s10+s11] =	stream.linear.scatter @!p2 [tilespmem:s11], [sflag:$0x1], $0x10000, $0x38;
	[tilespmem:$0x10000] =	vst v63  }
0x29: {  	s12 =	simm.s32 $0x40;
	s13 =	sadd.s32 $0x40000, s6;
	_ =	swait.ge @!p2 [sflag:s15], $0x10000  }
0x2a: {  	s11 =	sadd.s32 $0xFFEC0000, s7;
	s10 =	sadd.s32 $0xFF600000, s8;
	[sflag:s15] =	ssyncset.done @!p2 $0x0  }
.LBB2_2:
0x2b: {  	p1 =	sgt.u32 s14, $0xCB;
	[sflag:s15] =	ssyncadd.s32 @!p2 $0xFFFF0000  }
0x2c: {  	s16 =	simm.s32 @!p1 $0x0;
	s17 =	simm.s32 @!p1 $0x2;
	p0 =	sgt.u32 @!p1 s14, $0xC7  }
0x2d: {  	[tilespmem:s16], [sflag:$0x2] =	stream.linear.gather @!p1 [hbm4b:s13+s16], $0x10000, $0x38;
	[tilespmem:$0x10000] =	vst v63  }
0x2e: {  	p2 =	slt.u32 @!p1 s14, $0x4;
	s16 =	sadd.s32 @!p1 s9, s4;
	_ =	swait.ge @!p1 [sflag:s17], $0x10000  }
0x2f: {  	p4 =	por p0, p1;
	s14 =	sadd.s32 @!p1 $0xFFFFFFFE, s16;
	[sflag:s17] =	ssyncset.done @!p1 $0x0  }
0x30: {  	s16 =	simm.s32 @!p4 $0x0;
	[sflag:s17] =	ssyncadd.s32 @!p1 $0xFFFF0000;
	s17 =	simm.s32 @!p4 $0x2  }
0x31: {  	[hbm4b:s11+s16] =	stream.linear.scatter @!p4 [tilespmem:s16], [sflag:$0x2], $0x10000, $0x38;
	[tilespmem:$0x10000] =	vst v63  }
0x32: {  	_ =	swait.ge @!p4 [sflag:s17], $0x10000  }
0x33: {  	p3 =	sgt.u32 @!p1 s14, $0xC7;
	s14 =	rddreg [dreg:$0x3]  }
0x34: {  	s31 =	smov.u32 s12;
	s12 =	sadd.s32 $0x20, s12;
	s14 =	sadd.s32 @!p1 s9, s14  }
0x35: {  	p0 =	sne.s32 s12, $0xE0;
	s15 =	sadd.s32 @!p1 $0xFFFFFFFF, s14  }
0x36: {  	p2 =	por p2, p1;
	p3 =	por p3, p1;
	p5 =	sgt.u32 @!p1 s15, $0xC7  }
0x37: {  	[sflag:s17] =	ssyncset.done @!p4 $0x0;
	s14 =	sadd.s32 @!p1 $0xFFFFFFFD, s14;
	p5 =	por p5, p1  }
0x38: {  	[sflag:s17] =	ssyncadd.s32 @!p4 $0xFFFF0000;
	p4 =	sgt.u32 @!p1 s14, $0xC7;
	s14 =	sshrl.u32 @!p5 s10, $0x3  }
0x39: {  	s15 =	simm.s32 @!p5 $0x0;
	s16 =	simm.s32 @!p5 $0x2;
	s14 =	sadd.s32 @!p5 s1, s14  }
0x3a: {  	[hbm4b:s14+s15] =	stream.linear.scatter @!p5 [tilespmem:s15], [sflag:$0x2], $0x10000, $0x38;
	[tilespmem:$0x10000] =	vst v63  }
0x3b: {  	s17 =	simm.s32 @!p3 $0x0;
	s14 =	sadd.s32 @!p3 $0x60000, s10;
	_ =	swait.ge @!p5 [sflag:s16], $0x10000  }
0x3c: {  	p4 =	por p4, p1;
	s14 =	sshrl.u32 @!p3 s14, $0x3;
	[sflag:s16] =	ssyncset.done @!p5 $0x0  }
0x3d: {  	s15 =	simm.s32 @!p3 $0x2;
	s14 =	sadd.s32 @!p3 s1, s14;
	[sflag:s16] =	ssyncadd.s32 @!p5 $0xFFFF0000  }
0x3e: {  	[hbm4b:s14+s17] =	stream.linear.scatter @!p3 [tilespmem:s17], [sflag:$0x2], $0x10000, $0x38;
	[tilespmem:$0x10000] =	vst v63  }
0x3f: {  	s13 =	sadd.s32 $0x40000, s13;
	s14 =	sadd.s32 @!p4 $0xC0000, s10;
	_ =	swait.ge @!p3 [sflag:s15], $0x10000  }
0x40: {  	s16 =	simm.s32 @!p4 $0x2;
	s14 =	sshrl.u32 @!p4 s14, $0x3;
	[sflag:s15] =	ssyncset.done @!p3 $0x0  }
0x41: {  	s14 =	sadd.s32 @!p4 s1, s14;
	[sflag:s15] =	ssyncadd.s32 @!p3 $0xFFFF0000;
	s15 =	simm.s32 @!p4 $0x0  }
0x42: {  	[hbm4b:s14+s15] =	stream.linear.scatter @!p4 [tilespmem:s15], [sflag:$0x2], $0x10000, $0x38;
	[tilespmem:$0x10000] =	vst v63  }
0x43: {  	s14 =	sadd.s32 @!p2 $0x120000, s10;
	s15 =	simm.s32 @!p2 $0x1;
	_ =	swait.ge @!p4 [sflag:s16], $0x10000  }
.Ltmp0:
0x44: {  	s14 =	sshrl.u32 @!p2 s14, $0x3;
	[sflag:s16] =	ssyncset.done @!p4 $0x0;
	(pc) =	sbr.rel @p0 .LBB2_2-.Ltmp0, $4  }
0x45: {  	s14 =	sadd.s32 @!p2 s1, s14;
	[sflag:s16] =	ssyncadd.s32 @!p4 $0xFFFF0000;
	s16 =	simm.s32 @!p2 $0x0  }
0x46: {  	[hbm4b:s14+s16] =	stream.linear.scatter @!p2 [tilespmem:s16], [sflag:$0x1], $0x10000, $0x38;
	[tilespmem:$0x10000] =	vst v63  }
0x47: {  	s11 =	sadd.s32 $0xFFEC0000, s11;
	s9 =	smov.u32 s31;
	_ =	swait.ge @!p2 [sflag:s15], $0x10000  }
0x48: {  	s10 =	sadd.s32 $0xFF600000, s10;
	s14 =	sadd.s32 s9, s4;
	[sflag:s15] =	ssyncset.done @!p2 $0x0  }
0x49: {  	p0 =	sgt.u32 s14, $0xCB  }
0x4a: {  	[sflag:s15] =	ssyncadd.s32 @!p2 $0xFFFF0000;
	s12 =	simm.s32 @!p0 $0x0;
	s15 =	simm.s32 @!p0 $0x2  }
0x4b: {  	[tilespmem:s12], [sflag:$0x2] =	stream.linear.gather @!p0 [hbm4b:s13+s12], $0x10000, $0x38;
	[tilespmem:$0x10000] =	vst v63  }
0x4c: {  	p1 =	sgt.u32 @!p0 s14, $0xC7;
	_ =	swait.ge @!p0 [sflag:s15], $0x10000  }
0x4d: {  	p2 =	por p1, p0;
	[sflag:s15] =	ssyncset.done @!p0 $0x0  }
0x4e: {  	s12 =	simm.s32 @!p2 $0x0;
	s13 =	simm.s32 @!p2 $0x2;
	[sflag:s15] =	ssyncadd.s32 @!p0 $0xFFFF0000  }
0x4f: {  	[hbm4b:s11+s12] =	stream.linear.scatter @!p2 [tilespmem:s12], [sflag:$0x2], $0x10000, $0x38;
	[tilespmem:$0x10000] =	vst v63  }
0x50: {  	_ =	swait.ge @!p2 [sflag:s13], $0x10000  }
0x51: {  	s3 =	sadd.s32 $0x1, s3;
	s11 =	rddreg [dreg:$0x3]  }
0x52: {  	p1 =	slt.u32 @!p0 s14, $0x4;
	s12 =	sadd.s32 @!p0 s9, s4;
	s9 =	sadd.s32 @!p0 s9, s11  }
0x53: {  	[sflag:s13] =	ssyncset.done @!p2 $0x0;
	s11 =	sadd.s32 @!p0 $0xFFFFFFFE, s12;
	s12 =	sadd.s32 @!p0 $0xFFFFFFFF, s9  }
0x54: {  	[sflag:s13] =	ssyncadd.s32 @!p2 $0xFFFF0000;
	p4 =	sgt.u32 @!p0 s11, $0xC7;
	p3 =	sgt.u32 @!p0 s12, $0xC7  }
0x55: {  	s9 =	sadd.s32 @!p0 $0xFFFFFFFD, s9;
	p2 =	por p4, p0;
	p5 =	por p3, p0  }
0x56: {  	p3 =	sgt.u32 @!p0 s9, $0xC7;
	s13 =	simm.s32 @!p2 $0x0;
	s9 =	sshrl.u32 @!p5 s10, $0x3  }
0x57: {  	s11 =	simm.s32 @!p5 $0x0;
	s12 =	simm.s32 @!p5 $0x2;
	s9 =	sadd.s32 @!p5 s1, s9  }
0x58: {  	[hbm4b:s9+s11] =	stream.linear.scatter @!p5 [tilespmem:s11], [sflag:$0x2], $0x10000, $0x38;
	[tilespmem:$0x10000] =	vst v63  }
0x59: {  	p3 =	por p3, p0;
	s9 =	sadd.s32 @!p2 $0x60000, s10;
	_ =	swait.ge @!p5 [sflag:s12], $0x10000  }
0x5a: {  	p0 =	por p1, p0;
	s9 =	sshrl.u32 @!p2 s9, $0x3;
	[sflag:s12] =	ssyncset.done @!p5 $0x0  }
0x5b: {  	s11 =	simm.s32 @!p2 $0x2;
	s9 =	sadd.s32 @!p2 s1, s9;
	[sflag:s12] =	ssyncadd.s32 @!p5 $0xFFFF0000  }
0x5c: {  	[hbm4b:s9+s13] =	stream.linear.scatter @!p2 [tilespmem:s13], [sflag:$0x2], $0x10000, $0x38;
	[tilespmem:$0x10000] =	vst v63  }
0x5d: {  	p1 =	sne.s32 s3, s5;
	s9 =	sadd.s32 @!p3 $0xC0000, s10;
	_ =	swait.ge @!p2 [sflag:s11], $0x10000  }
0x5e: {  	s12 =	simm.s32 @!p3 $0x2;
	s9 =	sshrl.u32 @!p3 s9, $0x3;
	[sflag:s11] =	ssyncset.done @!p2 $0x0  }
0x5f: {  	s9 =	sadd.s32 @!p3 s1, s9;
	[sflag:s11] =	ssyncadd.s32 @!p2 $0xFFFF0000;
	s11 =	simm.s32 @!p3 $0x0  }
0x60: {  	[hbm4b:s9+s11] =	stream.linear.scatter @!p3 [tilespmem:s11], [sflag:$0x2], $0x10000, $0x38;
	[tilespmem:$0x10000] =	vst v63  }
0x61: {  	s9 =	sadd.s32 @!p0 $0x120000, s10;
	s10 =	simm.s32 @!p0 $0x1;
	_ =	swait.ge @!p3 [sflag:s12], $0x10000  }
0x62: {  	s11 =	simm.s32 @!p0 $0x0;
	s9 =	sshrl.u32 @!p0 s9, $0x3;
	[sflag:s12] =	ssyncset.done @!p3 $0x0  }
.Ltmp1:
0x63: {  	s9 =	sadd.s32 @!p0 s1, s9;
	[sflag:s12] =	ssyncadd.s32 @!p3 $0xFFFF0000;
	(pc) =	sbr.rel @p1 .LBB2_1-.Ltmp1, $4  }
0x64: {  	[hbm4b:s9+s11] =	stream.linear.scatter @!p0 [tilespmem:s11], [sflag:$0x1], $0x10000, $0x38;
	[tilespmem:$0x10000] =	vst v63  }
0x65: {  	_ =	swait.ge @!p0 [sflag:s10], $0x10000  }
0x66: {  	[sflag:s10] =	ssyncset.done @!p0 $0x0  }
0x67: {  	[sflag:s10] =	ssyncadd.s32 @!p0 $0xFFFF0000  }
0x68: {  	_ =	sfence.sel $0x180000  }
0x69: {  	[bflag:$0x0] =	sbarrier.arrive $0xFFFF  }
0x6a: {  	p0 =	sne.s32 s2, $0x0;
	_ =	strace $0x9000004A  }
0x6b: {  	s0 =	sadd.s32 @!p0 $0x100000, s0;
	[bflag:$0x2] =	sbarrier.arrive $0xFFFF  }
0x6c: {  	[sflag:s0] =	ssyncadd.tile.s32 @!p0 $0x1;
	_ =	shalt  }
.Lfunc_end2:
_tile_overlayer_lowered:
.L_overlay_start_2:
0x6d: {  	(tag) =	ssettag $0x2  }
0x6e: {  	s0 =	rddreg [dreg:$0x0];
	s2 =	stileid.u32  }
0x6f: {  	s1 =	rddreg [dreg:$0x1];
	p0 =	sne.s32 s2, $0x0  }
0x70: {  	s3 =	rddreg [dreg:$0x2];
	[bflag:$0x3] =	sbarrier.arrive $0xFFFF;
	s2 =	simm.s32 @!p0 $0x1C01  }
0x71: {  	[timem:s3], [sflag:s2] =	dma.local @!p0 [hbm:s0], s1  }
0x72: {  	s0 =	simm.s32 @!p0 $0x1  }
0x73: {  	_ =	swait.ge @!p0 [sflag:s0], s1  }
0x74: {  	s1 =	ssub.s32 @!p0 $0x0, s1;
	[sflag:s0] =	ssyncset.done @!p0 $0x0  }
0x75: {  	[sflag:s0] =	ssyncadd.s32 @!p0 s1  }
0x76: {  	[bflag:$0x3] =	sbarrier.arrive $0xFFFF  }
0x77: {  	_ =	shalt  }

</sc_bundles>
